<compile_context>
chip_gen: v7x
topology: tpu7x:2x2x1
jax: 0.10.2.dev20260603
libtpu: 0.0.44.dev20260713+nightly
codegen_flags: <defaults>
</compile_context>

<pallas_src>
import functools

import jax
import jax.numpy as jnp
from jax import lax
from jax.experimental import pallas as pl
from jax.experimental.pallas import tpu as pltpu
from jax.experimental.pallas import tpu_sc as plsc

NC, NS, L = 2, 16, 16
NW = NC * NS
B, T = 1024, 2048
F = 16384
STEP = F // T
ROWS = B // NW
SL = T // L

_mesh = plsc.VectorSubcoreMesh(
    core_axis_name="c", subcore_axis_name="s", num_cores=NC, num_subcores=NS
)


@functools.partial(
    pl.kernel,
    out_type=jax.ShapeDtypeStruct((B, 1, F), jnp.float32),
    mesh=_mesh,
    scratch_types=[
        pltpu.VMEM((ROWS, T), jnp.float32),
        pltpu.VMEM((F,), jnp.float32),
        pltpu.VMEM((F,), jnp.float32),
        pltpu.SemaphoreType.DMA,
        pltpu.SemaphoreType.DMA,
        pltpu.SemaphoreType.DMA,
    ],
    compiler_params=pltpu.CompilerParams(needs_layout_passes=False),
)
def _impulse(x_hbm, out_hbm, xall, ob0, ob1, osem0, osem1, isem):
    wid = lax.axis_index("s") * NC + lax.axis_index("c")
    base = wid * ROWS

    obufs = (ob0, ob1)
    osems = (osem0, osem1)

    incopy = pltpu.make_async_copy(x_hbm.at[pl.ds(base, ROWS)], xall, isem)
    incopy.start()

    zero16 = jnp.zeros((L,), jnp.float32)

    @plsc.parallel_loop(0, F // L, unroll=8)
    def _(i):
        ob0[pl.ds(i * L, L)] = zero16
        ob1[pl.ds(i * L, L)] = zero16

    incopy.wait()

    iota = lax.iota(jnp.int32, L)
    sidx = iota * STEP

    def shuffle(v, sh):
        return v.at[iota ^ sh].get(mode="promise_in_bounds")

    def allmax(v):
        for sh in (1, 2, 4, 8):
            v = jnp.maximum(v, shuffle(v, sh))
        return v

    def allsum(v):
        for sh in (1, 2, 4, 8):
            v = v + shuffle(v, sh)
        return v

    def do_row(r, b):
        ob = obufs[b]

        @plsc.parallel_loop(
            0, SL, unroll=8, carry=jnp.full((L,), -jnp.inf, jnp.float32)
        )
        def mloop(i, m):
            return jnp.maximum(m, xall[r, pl.ds(i * L, L)])

        mm = allmax(mloop)

        @plsc.parallel_loop(
            0, SL, unroll=8, carry=jnp.zeros((L,), jnp.float32)
        )
        def sloop(i, s):
            return s + jnp.exp(xall[r, pl.ds(i * L, L)] - mm)

        recip = 1.0 / allsum(sloop)

        @plsc.parallel_loop(0, SL, unroll=8)
        def _(i):
            v = jnp.exp(xall[r, pl.ds(i * L, L)] - mm) * recip
            plsc.store_scatter(ob, [i * (L * STEP) + sidx], v)

        pltpu.make_async_copy(ob, out_hbm.at[base + r, 0], osems[b]).start()

    do_row(0, 0)
    do_row(1, 1)

    @pl.loop(2, ROWS, step=2)
    def _(g):
        for b in range(2):
            r = g + b
            pltpu.make_async_copy(
                obufs[b], out_hbm.at[base + r - 2, 0], osems[b]
            ).wait()
            do_row(r, b)

    pltpu.make_async_copy(ob0, out_hbm.at[base + ROWS - 2, 0], osem0).wait()
    pltpu.make_async_copy(ob1, out_hbm.at[base + ROWS - 1, 0], osem1).wait()


def kernel(x):
    return _impulse(x)

# --- scband reference (transcript-rebuilt; emitter-appended) ---
"""Pipeline reference for scband-impulse-generator-36867999269155 (READ-ONLY COPY).

The authoritative reference and input builder live on the scoring server;
editing this copy changes nothing except your own understanding.
"""

import jax, jax.numpy as jnp
import numpy as np

FINAL_SIZE = 16384

def setup_inputs(seed: int = 0) -> dict:
    key = jax.random.key(seed)
    x = jax.random.normal(key, (1024, 2048), dtype=jnp.float32)
    return {"x": x}

def reference(x):
    batch, time = x.shape
    x = x.reshape(batch, 1, time)
    x = jax.nn.softmax(x, axis=-1)
    step = FINAL_SIZE // time
    output = jnp.zeros((batch, 1, FINAL_SIZE), dtype=x.dtype)
    output = output.at[:, :, ::step].set(x)
    return output

if __name__ == "__main__":
    import jax
    _d = setup_inputs()
    print(jax.jit(kernel)(*tuple(_d.values())))

</pallas_src>

<mosaic_0001>
#map = affine_map<(d0, d1) -> (0, 0)>
#map1 = affine_map<(d0, d1) -> (0, 0, 0)>
module attributes {stable_mosaic.version = 14 : i64} {
  func.func @_impulse(%arg0: i32, %arg1: i32, %arg2: memref<1024x2048xf32, #tpu.memory_space<hbm>>, %arg3: memref<1024x1x16384xf32, #tpu.memory_space<hbm>>, %arg4: memref<32x2048xf32, #tpu.memory_space<vmem>>, %arg5: memref<16384xf32, #tpu.memory_space<vmem>>, %arg6: memref<16384xf32, #tpu.memory_space<vmem>>, %arg7: memref<!tpu.dma_semaphore, #tpu.memory_space<semaphore_mem>>, %arg8: memref<!tpu.dma_semaphore, #tpu.memory_space<semaphore_mem>>, %arg9: memref<!tpu.dma_semaphore, #tpu.memory_space<semaphore_mem>>) attributes {dimension_semantics = [#tpu.dimension_semantics<core_parallel>, #tpu.dimension_semantics<subcore_parallel>], iteration_bounds = array<i64: 2, 16>, scalar_prefetch = 0 : i64, scratch_operands = 6 : i64, tpu.core_type = #tpu.core_type<sc_vector_subcore>, window_params = [{transform_indices = #map}, {transform_indices = #map1}]} {
    %mul3A = arith.constant 2 : i32
    %mul3A_0 = arith.muli %arg1, %mul3A : i32
    %add3A = arith.addi %mul3A_0, %arg0 : i32
    %mul3A_1 = arith.constant 32 : i32
    %mul3A_2 = arith.muli %add3A, %mul3A_1 : i32
    %dma_start3A = arith.constant 0 : i32
    %dma_start3A_3 = tpu.memref_slice %arg2[%mul3A_2, %dma_start3A] : memref<1024x2048xf32, #tpu.memory_space<hbm>> -> memref<32x2048xf32, #tpu.memory_space<hbm>>
    %dma_start3A_4 = arith.constant 0 : i32
    %dma_start3A_5 = tpu.memref_slice %arg2[%mul3A_2, %dma_start3A_4] : memref<1024x2048xf32, #tpu.memory_space<hbm>> -> memref<32x2048xf32, #tpu.memory_space<hbm>>
    tpu.enqueue_dma source(%dma_start3A_5 : memref<32x2048xf32, #tpu.memory_space<hbm>>) target(%arg4 : memref<32x2048xf32, #tpu.memory_space<vmem>>) target_semaphore(%arg9 : memref<!tpu.dma_semaphore, #tpu.memory_space<semaphore_mem>>)
    %broadcast_in_dim3A = arith.constant 0.000000e+00 : f32
    %broadcast_in_dim3A_6 = vector.broadcast %broadcast_in_dim3A : f32 to vector<16xf32>
    %parallel_loop3A = arith.constant 0 : i32
    %parallel_loop3A_7 = arith.constant 1024 : i32
    %parallel_loop3A_8 = arith.constant 1 : i32
    scf.for %parallel_loop3A_312 = %parallel_loop3A to %parallel_loop3A_7 step %parallel_loop3A_8  : i32 {
      %parallel_loop3A_313 = arith.constant 16 : i32
      %parallel_loop3A_314 = arith.muli %parallel_loop3A_312, %parallel_loop3A_313 : i32
      %parallel_loop3A_315 = arith.index_cast %parallel_loop3A_314 : i32 to index
      %parallel_loop3A_316 = tpu.vector_load %arg5[%parallel_loop3A_315] {strides = array<i32>} : memref<16384xf32, #tpu.memory_space<vmem>>, vector<16xf32>,
      tpu.vector_store %arg5[%parallel_loop3A_315], %broadcast_in_dim3A_6 {strides = array<i32>} : memref<16384xf32, #tpu.memory_space<vmem>>, vector<16xf32>,
      %parallel_loop3A_317 = arith.constant 16 : i32
      %parallel_loop3A_318 = arith.muli %parallel_loop3A_312, %parallel_loop3A_317 : i32
      %parallel_loop3A_319 = arith.index_cast %parallel_loop3A_318 : i32 to index
      %parallel_loop3A_320 = tpu.vector_load %arg6[%parallel_loop3A_319] {strides = array<i32>} : memref<16384xf32, #tpu.memory_space<vmem>>, vector<16xf32>,
      tpu.vector_store %arg6[%parallel_loop3A_319], %broadcast_in_dim3A_6 {strides = array<i32>} : memref<16384xf32, #tpu.memory_space<vmem>>, vector<16xf32>,
    } {sc.loop_unroll_factor = 8 : i64, sc.parallel_access}
    %dma_wait3A = arith.constant 0 : i32
    %dma_wait3A_9 = tpu.memref_slice %arg2[%mul3A_2, %dma_wait3A] : memref<1024x2048xf32, #tpu.memory_space<hbm>> -> memref<32x2048xf32, #tpu.memory_space<hbm>>
    %dma_wait3A_10 = arith.constant 0 : i32
    %dma_wait3A_11 = tpu.memref_slice %arg2[%mul3A_2, %dma_wait3A_10] : memref<1024x2048xf32, #tpu.memory_space<hbm>> -> memref<32x2048xf32, #tpu.memory_space<hbm>>
    tpu.wait_dma2 semaphore(%arg9 : memref<!tpu.dma_semaphore, #tpu.memory_space<semaphore_mem>>) src(%dma_wait3A_11 : memref<32x2048xf32, #tpu.memory_space<hbm>>) dst(%arg4 : memref<32x2048xf32, #tpu.memory_space<vmem>>)
    %iota3A = tpu.iota {dimensions = array<i32: 0>} : vector<16xi32>
    %mul3A_12 = arith.constant 8 : i32
    %mul3A_13 = vector.broadcast %mul3A_12 : i32 to vector<16xi32>
    %mul3A_14 = arith.muli %iota3A, %mul3A_13 : vector<16xi32>
    %broadcast_in_dim3A_15 = arith.constant 0xFF800000 : f32
    %broadcast_in_dim3A_16 = vector.broadcast %broadcast_in_dim3A_15 : f32 to vector<16xf32>
    %parallel_loop3A_17 = arith.constant 0 : i32
    %parallel_loop3A_18 = arith.constant 128 : i32
    %parallel_loop3A_19 = arith.constant 1 : i32
    %parallel_loop3A_20 = scf.for %parallel_loop3A_312 = %parallel_loop3A_17 to %parallel_loop3A_18 step %parallel_loop3A_19 iter_args(%parallel_loop3A_313 = %broadcast_in_dim3A_16) -> (vector<16xf32>)  : i32 {
      %parallel_loop3A_314 = arith.constant 16 : i32
      %parallel_loop3A_315 = arith.muli %parallel_loop3A_312, %parallel_loop3A_314 : i32
      %parallel_loop3A_316 = arith.constant 0 : i32
      %parallel_loop3A_317 = arith.index_cast %parallel_loop3A_316 : i32 to index
      %parallel_loop3A_318 = arith.index_cast %parallel_loop3A_315 : i32 to index
      %parallel_loop3A_319 = tpu.vector_load %arg4[%parallel_loop3A_317, %parallel_loop3A_318] {strides = array<i32>} : memref<32x2048xf32, #tpu.memory_space<vmem>>, vector<16xf32>,
      %parallel_loop3A_320 = arith.maximumf %parallel_loop3A_313, %parallel_loop3A_319 : vector<16xf32>
      scf.yield %parallel_loop3A_320 : vector<16xf32>
    } {sc.loop_unroll_factor = 8 : i64, sc.parallel_access}
    %xor3A = arith.constant 1 : i32
    %xor3A_21 = vector.broadcast %xor3A : i32 to vector<16xi32>
    %xor3A_22 = arith.xori %iota3A, %xor3A_21 : vector<16xi32>
    %lt3A = arith.constant 0 : i32
    %lt3A_23 = vector.broadcast %lt3A : i32 to vector<16xi32>
    %lt3A_24 = arith.cmpi slt, %xor3A_22, %lt3A_23 : vector<16xi32>
    %add3A_25 = arith.constant 16 : i32
    %add3A_26 = vector.broadcast %add3A_25 : i32 to vector<16xi32>
    %add3A_27 = arith.addi %xor3A_22, %add3A_26 : vector<16xi32>
    %select_n3A = arith.select %lt3A_24, %add3A_27, %xor3A_22 : vector<16xi1>, vector<16xi32>
    %broadcast_in_dim3A_28 = vector.shape_cast %select_n3A : vector<16xi32> to vector<16x1xi32>
    %gather3A = vector.shape_cast %broadcast_in_dim3A_28 : vector<16x1xi32> to vector<16xi32>
    %gather3A_29 = tpu.dynamic_gather %parallel_loop3A_20[%gather3A] in [0] : vector<16xf32>, vector<16xi32> -> vector<16xf32>
    %max3A = arith.maximumf %parallel_loop3A_20, %gather3A_29 : vector<16xf32>
    %xor3A_30 = arith.constant 2 : i32
    %xor3A_31 = vector.broadcast %xor3A_30 : i32 to vector<16xi32>
    %xor3A_32 = arith.xori %iota3A, %xor3A_31 : vector<16xi32>
    %lt3A_33 = arith.constant 0 : i32
    %lt3A_34 = vector.broadcast %lt3A_33 : i32 to vector<16xi32>
    %lt3A_35 = arith.cmpi slt, %xor3A_32, %lt3A_34 : vector<16xi32>
    %add3A_36 = arith.constant 16 : i32
    %add3A_37 = vector.broadcast %add3A_36 : i32 to vector<16xi32>
    %add3A_38 = arith.addi %xor3A_32, %add3A_37 : vector<16xi32>
    %select_n3A_39 = arith.select %lt3A_35, %add3A_38, %xor3A_32 : vector<16xi1>, vector<16xi32>
    %broadcast_in_dim3A_40 = vector.shape_cast %select_n3A_39 : vector<16xi32> to vector<16x1xi32>
    %gather3A_41 = vector.shape_cast %broadcast_in_dim3A_40 : vector<16x1xi32> to vector<16xi32>
    %gather3A_42 = tpu.dynamic_gather %max3A[%gather3A_41] in [0] : vector<16xf32>, vector<16xi32> -> vector<16xf32>
    %max3A_43 = arith.maximumf %max3A, %gather3A_42 : vector<16xf32>
    %xor3A_44 = arith.constant 4 : i32
    %xor3A_45 = vector.broadcast %xor3A_44 : i32 to vector<16xi32>
    %xor3A_46 = arith.xori %iota3A, %xor3A_45 : vector<16xi32>
    %lt3A_47 = arith.constant 0 : i32
    %lt3A_48 = vector.broadcast %lt3A_47 : i32 to vector<16xi32>
    %lt3A_49 = arith.cmpi slt, %xor3A_46, %lt3A_48 : vector<16xi32>
    %add3A_50 = arith.constant 16 : i32
    %add3A_51 = vector.broadcast %add3A_50 : i32 to vector<16xi32>
    %add3A_52 = arith.addi %xor3A_46, %add3A_51 : vector<16xi32>
    %select_n3A_53 = arith.select %lt3A_49, %add3A_52, %xor3A_46 : vector<16xi1>, vector<16xi32>
    %broadcast_in_dim3A_54 = vector.shape_cast %select_n3A_53 : vector<16xi32> to vector<16x1xi32>
    %gather3A_55 = vector.shape_cast %broadcast_in_dim3A_54 : vector<16x1xi32> to vector<16xi32>
    %gather3A_56 = tpu.dynamic_gather %max3A_43[%gather3A_55] in [0] : vector<16xf32>, vector<16xi32> -> vector<16xf32>
    %max3A_57 = arith.maximumf %max3A_43, %gather3A_56 : vector<16xf32>
    %xor3A_58 = arith.constant 8 : i32
    %xor3A_59 = vector.broadcast %xor3A_58 : i32 to vector<16xi32>
    %xor3A_60 = arith.xori %iota3A, %xor3A_59 : vector<16xi32>
    %lt3A_61 = arith.constant 0 : i32
    %lt3A_62 = vector.broadcast %lt3A_61 : i32 to vector<16xi32>
    %lt3A_63 = arith.cmpi slt, %xor3A_60, %lt3A_62 : vector<16xi32>
    %add3A_64 = arith.constant 16 : i32
    %add3A_65 = vector.broadcast %add3A_64 : i32 to vector<16xi32>
    %add3A_66 = arith.addi %xor3A_60, %add3A_65 : vector<16xi32>
    %select_n3A_67 = arith.select %lt3A_63, %add3A_66, %xor3A_60 : vector<16xi1>, vector<16xi32>
    %broadcast_in_dim3A_68 = vector.shape_cast %select_n3A_67 : vector<16xi32> to vector<16x1xi32>
    %gather3A_69 = vector.shape_cast %broadcast_in_dim3A_68 : vector<16x1xi32> to vector<16xi32>
    %gather3A_70 = tpu.dynamic_gather %max3A_57[%gather3A_69] in [0] : vector<16xf32>, vector<16xi32> -> vector<16xf32>
    %max3A_71 = arith.maximumf %max3A_57, %gather3A_70 : vector<16xf32>
    %broadcast_in_dim3A_72 = arith.constant 0.000000e+00 : f32
    %broadcast_in_dim3A_73 = vector.broadcast %broadcast_in_dim3A_72 : f32 to vector<16xf32>
    %parallel_loop3A_74 = arith.constant 0 : i32
    %parallel_loop3A_75 = arith.constant 128 : i32
    %parallel_loop3A_76 = arith.constant 1 : i32
    %parallel_loop3A_77 = scf.for %parallel_loop3A_312 = %parallel_loop3A_74 to %parallel_loop3A_75 step %parallel_loop3A_76 iter_args(%parallel_loop3A_313 = %broadcast_in_dim3A_73) -> (vector<16xf32>)  : i32 {
      %parallel_loop3A_314 = arith.constant 16 : i32
      %parallel_loop3A_315 = arith.muli %parallel_loop3A_312, %parallel_loop3A_314 : i32
      %parallel_loop3A_316 = arith.constant 0 : i32
      %parallel_loop3A_317 = arith.index_cast %parallel_loop3A_316 : i32 to index
      %parallel_loop3A_318 = arith.index_cast %parallel_loop3A_315 : i32 to index
      %parallel_loop3A_319 = tpu.vector_load %arg4[%parallel_loop3A_317, %parallel_loop3A_318] {strides = array<i32>} : memref<32x2048xf32, #tpu.memory_space<vmem>>, vector<16xf32>,
      %parallel_loop3A_320 = arith.subf %parallel_loop3A_319, %max3A_71 : vector<16xf32>
      %parallel_loop3A_321 = math.exp %parallel_loop3A_320 : vector<16xf32>
      %parallel_loop3A_322 = arith.addf %parallel_loop3A_313, %parallel_loop3A_321 : vector<16xf32>
      scf.yield %parallel_loop3A_322 : vector<16xf32>
    } {sc.loop_unroll_factor = 8 : i64, sc.parallel_access}
    %xor3A_78 = arith.constant 1 : i32
    %xor3A_79 = vector.broadcast %xor3A_78 : i32 to vector<16xi32>
    %xor3A_80 = arith.xori %iota3A, %xor3A_79 : vector<16xi32>
    %lt3A_81 = arith.constant 0 : i32
    %lt3A_82 = vector.broadcast %lt3A_81 : i32 to vector<16xi32>
    %lt3A_83 = arith.cmpi slt, %xor3A_80, %lt3A_82 : vector<16xi32>
    %add3A_84 = arith.constant 16 : i32
    %add3A_85 = vector.broadcast %add3A_84 : i32 to vector<16xi32>
    %add3A_86 = arith.addi %xor3A_80, %add3A_85 : vector<16xi32>
    %select_n3A_87 = arith.select %lt3A_83, %add3A_86, %xor3A_80 : vector<16xi1>, vector<16xi32>
    %broadcast_in_dim3A_88 = vector.shape_cast %select_n3A_87 : vector<16xi32> to vector<16x1xi32>
    %gather3A_89 = vector.shape_cast %broadcast_in_dim3A_88 : vector<16x1xi32> to vector<16xi32>
    %gather3A_90 = tpu.dynamic_gather %parallel_loop3A_77[%gather3A_89] in [0] : vector<16xf32>, vector<16xi32> -> vector<16xf32>
    %add3A_91 = arith.addf %parallel_loop3A_77, %gather3A_90 : vector<16xf32>
    %xor3A_92 = arith.constant 2 : i32
    %xor3A_93 = vector.broadcast %xor3A_92 : i32 to vector<16xi32>
    %xor3A_94 = arith.xori %iota3A, %xor3A_93 : vector<16xi32>
    %lt3A_95 = arith.constant 0 : i32
    %lt3A_96 = vector.broadcast %lt3A_95 : i32 to vector<16xi32>
    %lt3A_97 = arith.cmpi slt, %xor3A_94, %lt3A_96 : vector<16xi32>
    %add3A_98 = arith.constant 16 : i32
    %add3A_99 = vector.broadcast %add3A_98 : i32 to vector<16xi32>
    %add3A_100 = arith.addi %xor3A_94, %add3A_99 : vector<16xi32>
    %select_n3A_101 = arith.select %lt3A_97, %add3A_100, %xor3A_94 : vector<16xi1>, vector<16xi32>
    %broadcast_in_dim3A_102 = vector.shape_cast %select_n3A_101 : vector<16xi32> to vector<16x1xi32>
    %gather3A_103 = vector.shape_cast %broadcast_in_dim3A_102 : vector<16x1xi32> to vector<16xi32>
    %gather3A_104 = tpu.dynamic_gather %add3A_91[%gather3A_103] in [0] : vector<16xf32>, vector<16xi32> -> vector<16xf32>
    %add3A_105 = arith.addf %add3A_91, %gather3A_104 : vector<16xf32>
    %xor3A_106 = arith.constant 4 : i32
    %xor3A_107 = vector.broadcast %xor3A_106 : i32 to vector<16xi32>
    %xor3A_108 = arith.xori %iota3A, %xor3A_107 : vector<16xi32>
    %lt3A_109 = arith.constant 0 : i32
    %lt3A_110 = vector.broadcast %lt3A_109 : i32 to vector<16xi32>
    %lt3A_111 = arith.cmpi slt, %xor3A_108, %lt3A_110 : vector<16xi32>
    %add3A_112 = arith.constant 16 : i32
    %add3A_113 = vector.broadcast %add3A_112 : i32 to vector<16xi32>
    %add3A_114 = arith.addi %xor3A_108, %add3A_113 : vector<16xi32>
    %select_n3A_115 = arith.select %lt3A_111, %add3A_114, %xor3A_108 : vector<16xi1>, vector<16xi32>
    %broadcast_in_dim3A_116 = vector.shape_cast %select_n3A_115 : vector<16xi32> to vector<16x1xi32>
    %gather3A_117 = vector.shape_cast %broadcast_in_dim3A_116 : vector<16x1xi32> to vector<16xi32>
    %gather3A_118 = tpu.dynamic_gather %add3A_105[%gather3A_117] in [0] : vector<16xf32>, vector<16xi32> -> vector<16xf32>
    %add3A_119 = arith.addf %add3A_105, %gather3A_118 : vector<16xf32>
    %xor3A_120 = arith.constant 8 : i32
    %xor3A_121 = vector.broadcast %xor3A_120 : i32 to vector<16xi32>
    %xor3A_122 = arith.xori %iota3A, %xor3A_121 : vector<16xi32>
    %lt3A_123 = arith.constant 0 : i32
    %lt3A_124 = vector.broadcast %lt3A_123 : i32 to vector<16xi32>
    %lt3A_125 = arith.cmpi slt, %xor3A_122, %lt3A_124 : vector<16xi32>
    %add3A_126 = arith.constant 16 : i32
    %add3A_127 = vector.broadcast %add3A_126 : i32 to vector<16xi32>
    %add3A_128 = arith.addi %xor3A_122, %add3A_127 : vector<16xi32>
    %select_n3A_129 = arith.select %lt3A_125, %add3A_128, %xor3A_122 : vector<16xi1>, vector<16xi32>
    %broadcast_in_dim3A_130 = vector.shape_cast %select_n3A_129 : vector<16xi32> to vector<16x1xi32>
    %gather3A_131 = vector.shape_cast %broadcast_in_dim3A_130 : vector<16x1xi32> to vector<16xi32>
    %gather3A_132 = tpu.dynamic_gather %add3A_119[%gather3A_131] in [0] : vector<16xf32>, vector<16xi32> -> vector<16xf32>
    %add3A_133 = arith.addf %add3A_119, %gather3A_132 : vector<16xf32>
    %div3A = arith.constant 1.000000e+00 : f32
    %div3A_134 = vector.broadcast %div3A : f32 to vector<16xf32>
    %div3A_135 = arith.divf %div3A_134, %add3A_133 : vector<16xf32>
    %parallel_loop3A_136 = arith.constant 0 : i32
    %parallel_loop3A_137 = arith.constant 128 : i32
    %parallel_loop3A_138 = arith.constant 1 : i32
    scf.for %parallel_loop3A_312 = %parallel_loop3A_136 to %parallel_loop3A_137 step %parallel_loop3A_138  : i32 {
      %parallel_loop3A_313 = arith.constant 16 : i32
      %parallel_loop3A_314 = arith.muli %parallel_loop3A_312, %parallel_loop3A_313 : i32
      %parallel_loop3A_315 = arith.constant 0 : i32
      %parallel_loop3A_316 = arith.index_cast %parallel_loop3A_315 : i32 to index
      %parallel_loop3A_317 = arith.index_cast %parallel_loop3A_314 : i32 to index
      %parallel_loop3A_318 = tpu.vector_load %arg4[%parallel_loop3A_316, %parallel_loop3A_317] {strides = array<i32>} : memref<32x2048xf32, #tpu.memory_space<vmem>>, vector<16xf32>,
      %parallel_loop3A_319 = arith.subf %parallel_loop3A_318, %max3A_71 : vector<16xf32>
      %parallel_loop3A_320 = math.exp %parallel_loop3A_319 : vector<16xf32>
      %parallel_loop3A_321 = arith.mulf %parallel_loop3A_320, %div3A_135 : vector<16xf32>
      %parallel_loop3A_322 = arith.constant 128 : i32
      %parallel_loop3A_323 = arith.muli %parallel_loop3A_312, %parallel_loop3A_322 : i32
      %parallel_loop3A_324 = vector.broadcast %parallel_loop3A_323 : i32 to vector<16xi32>
      %parallel_loop3A_325 = arith.addi %parallel_loop3A_324, %mul3A_14 : vector<16xi32>
      tpu.vector_store_idx %arg5[%parallel_loop3A_325], %parallel_loop3A_321 : memref<16384xf32, #tpu.memory_space<vmem>>[vector<16xi32>], vector<16xf32>,
    } {sc.loop_unroll_factor = 8 : i64, sc.parallel_access}
    %add3A_139 = arith.constant 0 : i32
    %add3A_140 = arith.addi %mul3A_2, %add3A_139 : i32
    %dma_start3A_141 = arith.constant 0 : i32
    %dma_start3A_142 = arith.constant 0 : i32
    %dma_start3A_143 = tpu.memref_slice %arg3[%add3A_140, %dma_start3A_141, %dma_start3A_142] : memref<1024x1x16384xf32, #tpu.memory_space<hbm>> -> memref<1x1x16384xf32, #tpu.memory_space<hbm>>
    %dma_start3A_144 = tpu.memref_squeeze %dma_start3A_143 : memref<1x1x16384xf32, #tpu.memory_space<hbm>> -> memref<16384xf32, #tpu.memory_space<hbm>>
    %dma_start3A_145 = arith.constant 0 : i32
    %dma_start3A_146 = tpu.memref_slice %arg3[%add3A_140, %dma_start3A_141, %dma_start3A_145] : memref<1024x1x16384xf32, #tpu.memory_space<hbm>> -> memref<1x1x16384xf32, #tpu.memory_space<hbm>>
    %dma_start3A_147 = tpu.memref_squeeze %dma_start3A_146 : memref<1x1x16384xf32, #tpu.memory_space<hbm>> -> memref<16384xf32, #tpu.memory_space<hbm>>
    tpu.enqueue_dma source(%arg5 : memref<16384xf32, #tpu.memory_space<vmem>>) target(%dma_start3A_147 : memref<16384xf32, #tpu.memory_space<hbm>>) target_semaphore(%arg7 : memref<!tpu.dma_semaphore, #tpu.memory_space<semaphore_mem>>)
    %broadcast_in_dim3A_148 = arith.constant 0xFF800000 : f32
    %broadcast_in_dim3A_149 = vector.broadcast %broadcast_in_dim3A_148 : f32 to vector<16xf32>
    %parallel_loop3A_150 = arith.constant 0 : i32
    %parallel_loop3A_151 = arith.constant 128 : i32
    %parallel_loop3A_152 = arith.constant 1 : i32
    %parallel_loop3A_153 = scf.for %parallel_loop3A_312 = %parallel_loop3A_150 to %parallel_loop3A_151 step %parallel_loop3A_152 iter_args(%parallel_loop3A_313 = %broadcast_in_dim3A_149) -> (vector<16xf32>)  : i32 {
      %parallel_loop3A_314 = arith.constant 16 : i32
      %parallel_loop3A_315 = arith.muli %parallel_loop3A_312, %parallel_loop3A_314 : i32
      %parallel_loop3A_316 = arith.constant 1 : i32
      %parallel_loop3A_317 = arith.index_cast %parallel_loop3A_316 : i32 to index
      %parallel_loop3A_318 = arith.index_cast %parallel_loop3A_315 : i32 to index
      %parallel_loop3A_319 = tpu.vector_load %arg4[%parallel_loop3A_317, %parallel_loop3A_318] {strides = array<i32>} : memref<32x2048xf32, #tpu.memory_space<vmem>>, vector<16xf32>,
      %parallel_loop3A_320 = arith.maximumf %parallel_loop3A_313, %parallel_loop3A_319 : vector<16xf32>
      scf.yield %parallel_loop3A_320 : vector<16xf32>
    } {sc.loop_unroll_factor = 8 : i64, sc.parallel_access}
    %xor3A_154 = arith.constant 1 : i32
    %xor3A_155 = vector.broadcast %xor3A_154 : i32 to vector<16xi32>
    %xor3A_156 = arith.xori %iota3A, %xor3A_155 : vector<16xi32>
    %lt3A_157 = arith.constant 0 : i32
    %lt3A_158 = vector.broadcast %lt3A_157 : i32 to vector<16xi32>
    %lt3A_159 = arith.cmpi slt, %xor3A_156, %lt3A_158 : vector<16xi32>
    %add3A_160 = arith.constant 16 : i32
    %add3A_161 = vector.broadcast %add3A_160 : i32 to vector<16xi32>
    %add3A_162 = arith.addi %xor3A_156, %add3A_161 : vector<16xi32>
    %select_n3A_163 = arith.select %lt3A_159, %add3A_162, %xor3A_156 : vector<16xi1>, vector<16xi32>
    %broadcast_in_dim3A_164 = vector.shape_cast %select_n3A_163 : vector<16xi32> to vector<16x1xi32>
    %gather3A_165 = vector.shape_cast %broadcast_in_dim3A_164 : vector<16x1xi32> to vector<16xi32>
    %gather3A_166 = tpu.dynamic_gather %parallel_loop3A_153[%gather3A_165] in [0] : vector<16xf32>, vector<16xi32> -> vector<16xf32>
    %max3A_167 = arith.maximumf %parallel_loop3A_153, %gather3A_166 : vector<16xf32>
    %xor3A_168 = arith.constant 2 : i32
    %xor3A_169 = vector.broadcast %xor3A_168 : i32 to vector<16xi32>
    %xor3A_170 = arith.xori %iota3A, %xor3A_169 : vector<16xi32>
    %lt3A_171 = arith.constant 0 : i32
    %lt3A_172 = vector.broadcast %lt3A_171 : i32 to vector<16xi32>
    %lt3A_173 = arith.cmpi slt, %xor3A_170, %lt3A_172 : vector<16xi32>
    %add3A_174 = arith.constant 16 : i32
    %add3A_175 = vector.broadcast %add3A_174 : i32 to vector<16xi32>
    %add3A_176 = arith.addi %xor3A_170, %add3A_175 : vector<16xi32>
    %select_n3A_177 = arith.select %lt3A_173, %add3A_176, %xor3A_170 : vector<16xi1>, vector<16xi32>
    %broadcast_in_dim3A_178 = vector.shape_cast %select_n3A_177 : vector<16xi32> to vector<16x1xi32>
    %gather3A_179 = vector.shape_cast %broadcast_in_dim3A_178 : vector<16x1xi32> to vector<16xi32>
    %gather3A_180 = tpu.dynamic_gather %max3A_167[%gather3A_179] in [0] : vector<16xf32>, vector<16xi32> -> vector<16xf32>
    %max3A_181 = arith.maximumf %max3A_167, %gather3A_180 : vector<16xf32>
    %xor3A_182 = arith.constant 4 : i32
    %xor3A_183 = vector.broadcast %xor3A_182 : i32 to vector<16xi32>
    %xor3A_184 = arith.xori %iota3A, %xor3A_183 : vector<16xi32>
    %lt3A_185 = arith.constant 0 : i32
    %lt3A_186 = vector.broadcast %lt3A_185 : i32 to vector<16xi32>
    %lt3A_187 = arith.cmpi slt, %xor3A_184, %lt3A_186 : vector<16xi32>
    %add3A_188 = arith.constant 16 : i32
    %add3A_189 = vector.broadcast %add3A_188 : i32 to vector<16xi32>
    %add3A_190 = arith.addi %xor3A_184, %add3A_189 : vector<16xi32>
    %select_n3A_191 = arith.select %lt3A_187, %add3A_190, %xor3A_184 : vector<16xi1>, vector<16xi32>
    %broadcast_in_dim3A_192 = vector.shape_cast %select_n3A_191 : vector<16xi32> to vector<16x1xi32>
    %gather3A_193 = vector.shape_cast %broadcast_in_dim3A_192 : vector<16x1xi32> to vector<16xi32>
    %gather3A_194 = tpu.dynamic_gather %max3A_181[%gather3A_193] in [0] : vector<16xf32>, vector<16xi32> -> vector<16xf32>
    %max3A_195 = arith.maximumf %max3A_181, %gather3A_194 : vector<16xf32>
    %xor3A_196 = arith.constant 8 : i32
    %xor3A_197 = vector.broadcast %xor3A_196 : i32 to vector<16xi32>
    %xor3A_198 = arith.xori %iota3A, %xor3A_197 : vector<16xi32>
    %lt3A_199 = arith.constant 0 : i32
    %lt3A_200 = vector.broadcast %lt3A_199 : i32 to vector<16xi32>
    %lt3A_201 = arith.cmpi slt, %xor3A_198, %lt3A_200 : vector<16xi32>
    %add3A_202 = arith.constant 16 : i32
    %add3A_203 = vector.broadcast %add3A_202 : i32 to vector<16xi32>
    %add3A_204 = arith.addi %xor3A_198, %add3A_203 : vector<16xi32>
    %select_n3A_205 = arith.select %lt3A_201, %add3A_204, %xor3A_198 : vector<16xi1>, vector<16xi32>
    %broadcast_in_dim3A_206 = vector.shape_cast %select_n3A_205 : vector<16xi32> to vector<16x1xi32>
    %gather3A_207 = vector.shape_cast %broadcast_in_dim3A_206 : vector<16x1xi32> to vector<16xi32>
    %gather3A_208 = tpu.dynamic_gather %max3A_195[%gather3A_207] in [0] : vector<16xf32>, vector<16xi32> -> vector<16xf32>
    %max3A_209 = arith.maximumf %max3A_195, %gather3A_208 : vector<16xf32>
    %broadcast_in_dim3A_210 = arith.constant 0.000000e+00 : f32
    %broadcast_in_dim3A_211 = vector.broadcast %broadcast_in_dim3A_210 : f32 to vector<16xf32>
    %parallel_loop3A_212 = arith.constant 0 : i32
    %parallel_loop3A_213 = arith.constant 128 : i32
    %parallel_loop3A_214 = arith.constant 1 : i32
    %parallel_loop3A_215 = scf.for %parallel_loop3A_312 = %parallel_loop3A_212 to %parallel_loop3A_213 step %parallel_loop3A_214 iter_args(%parallel_loop3A_313 = %broadcast_in_dim3A_211) -> (vector<16xf32>)  : i32 {
      %parallel_loop3A_314 = arith.constant 16 : i32
      %parallel_loop3A_315 = arith.muli %parallel_loop3A_312, %parallel_loop3A_314 : i32
      %parallel_loop3A_316 = arith.constant 1 : i32
      %parallel_loop3A_317 = arith.index_cast %parallel_loop3A_316 : i32 to index
      %parallel_loop3A_318 = arith.index_cast %parallel_loop3A_315 : i32 to index
      %parallel_loop3A_319 = tpu.vector_load %arg4[%parallel_loop3A_317, %parallel_loop3A_318] {strides = array<i32>} : memref<32x2048xf32, #tpu.memory_space<vmem>>, vector<16xf32>,
      %parallel_loop3A_320 = arith.subf %parallel_loop3A_319, %max3A_209 : vector<16xf32>
      %parallel_loop3A_321 = math.exp %parallel_loop3A_320 : vector<16xf32>
      %parallel_loop3A_322 = arith.addf %parallel_loop3A_313, %parallel_loop3A_321 : vector<16xf32>
      scf.yield %parallel_loop3A_322 : vector<16xf32>
    } {sc.loop_unroll_factor = 8 : i64, sc.parallel_access}
    %xor3A_216 = arith.constant 1 : i32
    %xor3A_217 = vector.broadcast %xor3A_216 : i32 to vector<16xi32>
    %xor3A_218 = arith.xori %iota3A, %xor3A_217 : vector<16xi32>
    %lt3A_219 = arith.constant 0 : i32
    %lt3A_220 = vector.broadcast %lt3A_219 : i32 to vector<16xi32>
    %lt3A_221 = arith.cmpi slt, %xor3A_218, %lt3A_220 : vector<16xi32>
    %add3A_222 = arith.constant 16 : i32
    %add3A_223 = vector.broadcast %add3A_222 : i32 to vector<16xi32>
    %add3A_224 = arith.addi %xor3A_218, %add3A_223 : vector<16xi32>
    %select_n3A_225 = arith.select %lt3A_221, %add3A_224, %xor3A_218 : vector<16xi1>, vector<16xi32>
    %broadcast_in_dim3A_226 = vector.shape_cast %select_n3A_225 : vector<16xi32> to vector<16x1xi32>
    %gather3A_227 = vector.shape_cast %broadcast_in_dim3A_226 : vector<16x1xi32> to vector<16xi32>
    %gather3A_228 = tpu.dynamic_gather %parallel_loop3A_215[%gather3A_227] in [0] : vector<16xf32>, vector<16xi32> -> vector<16xf32>
    %add3A_229 = arith.addf %parallel_loop3A_215, %gather3A_228 : vector<16xf32>
    %xor3A_230 = arith.constant 2 : i32
    %xor3A_231 = vector.broadcast %xor3A_230 : i32 to vector<16xi32>
    %xor3A_232 = arith.xori %iota3A, %xor3A_231 : vector<16xi32>
    %lt3A_233 = arith.constant 0 : i32
    %lt3A_234 = vector.broadcast %lt3A_233 : i32 to vector<16xi32>
    %lt3A_235 = arith.cmpi slt, %xor3A_232, %lt3A_234 : vector<16xi32>
    %add3A_236 = arith.constant 16 : i32
    %add3A_237 = vector.broadcast %add3A_236 : i32 to vector<16xi32>
    %add3A_238 = arith.addi %xor3A_232, %add3A_237 : vector<16xi32>
    %select_n3A_239 = arith.select %lt3A_235, %add3A_238, %xor3A_232 : vector<16xi1>, vector<16xi32>
    %broadcast_in_dim3A_240 = vector.shape_cast %select_n3A_239 : vector<16xi32> to vector<16x1xi32>
    %gather3A_241 = vector.shape_cast %broadcast_in_dim3A_240 : vector<16x1xi32> to vector<16xi32>
    %gather3A_242 = tpu.dynamic_gather %add3A_229[%gather3A_241] in [0] : vector<16xf32>, vector<16xi32> -> vector<16xf32>
    %add3A_243 = arith.addf %add3A_229, %gather3A_242 : vector<16xf32>
    %xor3A_244 = arith.constant 4 : i32
    %xor3A_245 = vector.broadcast %xor3A_244 : i32 to vector<16xi32>
    %xor3A_246 = arith.xori %iota3A, %xor3A_245 : vector<16xi32>
    %lt3A_247 = arith.constant 0 : i32
    %lt3A_248 = vector.broadcast %lt3A_247 : i32 to vector<16xi32>
    %lt3A_249 = arith.cmpi slt, %xor3A_246, %lt3A_248 : vector<16xi32>
    %add3A_250 = arith.constant 16 : i32
    %add3A_251 = vector.broadcast %add3A_250 : i32 to vector<16xi32>
    %add3A_252 = arith.addi %xor3A_246, %add3A_251 : vector<16xi32>
    %select_n3A_253 = arith.select %lt3A_249, %add3A_252, %xor3A_246 : vector<16xi1>, vector<16xi32>
    %broadcast_in_dim3A_254 = vector.shape_cast %select_n3A_253 : vector<16xi32> to vector<16x1xi32>
    %gather3A_255 = vector.shape_cast %broadcast_in_dim3A_254 : vector<16x1xi32> to vector<16xi32>
    %gather3A_256 = tpu.dynamic_gather %add3A_243[%gather3A_255] in [0] : vector<16xf32>, vector<16xi32> -> vector<16xf32>
    %add3A_257 = arith.addf %add3A_243, %gather3A_256 : vector<16xf32>
    %xor3A_258 = arith.constant 8 : i32
    %xor3A_259 = vector.broadcast %xor3A_258 : i32 to vector<16xi32>
    %xor3A_260 = arith.xori %iota3A, %xor3A_259 : vector<16xi32>
    %lt3A_261 = arith.constant 0 : i32
    %lt3A_262 = vector.broadcast %lt3A_261 : i32 to vector<16xi32>
    %lt3A_263 = arith.cmpi slt, %xor3A_260, %lt3A_262 : vector<16xi32>
    %add3A_264 = arith.constant 16 : i32
    %add3A_265 = vector.broadcast %add3A_264 : i32 to vector<16xi32>
    %add3A_266 = arith.addi %xor3A_260, %add3A_265 : vector<16xi32>
    %select_n3A_267 = arith.select %lt3A_263, %add3A_266, %xor3A_260 : vector<16xi1>, vector<16xi32>
    %broadcast_in_dim3A_268 = vector.shape_cast %select_n3A_267 : vector<16xi32> to vector<16x1xi32>
    %gather3A_269 = vector.shape_cast %broadcast_in_dim3A_268 : vector<16x1xi32> to vector<16xi32>
    %gather3A_270 = tpu.dynamic_gather %add3A_257[%gather3A_269] in [0] : vector<16xf32>, vector<16xi32> -> vector<16xf32>
    %add3A_271 = arith.addf %add3A_257, %gather3A_270 : vector<16xf32>
    %div3A_272 = arith.constant 1.000000e+00 : f32
    %div3A_273 = vector.broadcast %div3A_272 : f32 to vector<16xf32>
    %div3A_274 = arith.divf %div3A_273, %add3A_271 : vector<16xf32>
    %parallel_loop3A_275 = arith.constant 0 : i32
    %parallel_loop3A_276 = arith.constant 128 : i32
    %parallel_loop3A_277 = arith.constant 1 : i32
    scf.for %parallel_loop3A_312 = %parallel_loop3A_275 to %parallel_loop3A_276 step %parallel_loop3A_277  : i32 {
      %parallel_loop3A_313 = arith.constant 16 : i32
      %parallel_loop3A_314 = arith.muli %parallel_loop3A_312, %parallel_loop3A_313 : i32
      %parallel_loop3A_315 = arith.constant 1 : i32
      %parallel_loop3A_316 = arith.index_cast %parallel_loop3A_315 : i32 to index
      %parallel_loop3A_317 = arith.index_cast %parallel_loop3A_314 : i32 to index
      %parallel_loop3A_318 = tpu.vector_load %arg4[%parallel_loop3A_316, %parallel_loop3A_317] {strides = array<i32>} : memref<32x2048xf32, #tpu.memory_space<vmem>>, vector<16xf32>,
      %parallel_loop3A_319 = arith.subf %parallel_loop3A_318, %max3A_209 : vector<16xf32>
      %parallel_loop3A_320 = math.exp %parallel_loop3A_319 : vector<16xf32>
      %parallel_loop3A_321 = arith.mulf %parallel_loop3A_320, %div3A_274 : vector<16xf32>
      %parallel_loop3A_322 = arith.constant 128 : i32
      %parallel_loop3A_323 = arith.muli %parallel_loop3A_312, %parallel_loop3A_322 : i32
      %parallel_loop3A_324 = vector.broadcast %parallel_loop3A_323 : i32 to vector<16xi32>
      %parallel_loop3A_325 = arith.addi %parallel_loop3A_324, %mul3A_14 : vector<16xi32>
      tpu.vector_store_idx %arg6[%parallel_loop3A_325], %parallel_loop3A_321 : memref<16384xf32, #tpu.memory_space<vmem>>[vector<16xi32>], vector<16xf32>,
    } {sc.loop_unroll_factor = 8 : i64, sc.parallel_access}
    %add3A_278 = arith.constant 1 : i32
    %add3A_279 = arith.addi %mul3A_2, %add3A_278 : i32
    %dma_start3A_280 = arith.constant 0 : i32
    %dma_start3A_281 = arith.constant 0 : i32
    %dma_start3A_282 = tpu.memref_slice %arg3[%add3A_279, %dma_start3A_280, %dma_start3A_281] : memref<1024x1x16384xf32, #tpu.memory_space<hbm>> -> memref<1x1x16384xf32, #tpu.memory_space<hbm>>
    %dma_start3A_283 = tpu.memref_squeeze %dma_start3A_282 : memref<1x1x16384xf32, #tpu.memory_space<hbm>> -> memref<16384xf32, #tpu.memory_space<hbm>>
    %dma_start3A_284 = arith.constant 0 : i32
    %dma_start3A_285 = tpu.memref_slice %arg3[%add3A_279, %dma_start3A_280, %dma_start3A_284] : memref<1024x1x16384xf32, #tpu.memory_space<hbm>> -> memref<1x1x16384xf32, #tpu.memory_space<hbm>>
    %dma_start3A_286 = tpu.memref_squeeze %dma_start3A_285 : memref<1x1x16384xf32, #tpu.memory_space<hbm>> -> memref<16384xf32, #tpu.memory_space<hbm>>
    tpu.enqueue_dma source(%arg6 : memref<16384xf32, #tpu.memory_space<vmem>>) target(%dma_start3A_286 : memref<16384xf32, #tpu.memory_space<hbm>>) target_semaphore(%arg8 : memref<!tpu.dma_semaphore, #tpu.memory_space<semaphore_mem>>)
    %scan3A = arith.constant 0 : i32
    %scan3A_287 = arith.constant 15 : i32
    %scan3A_288 = arith.addi %scan3A, %scan3A_287 : i32
    %scan3A_289 = arith.constant 1 : i32
    scf.for %scan3A_312 = %scan3A to %scan3A_288 step %scan3A_289  : i32 {
      %mul3A_313 = arith.constant 2 : i32
      %mul3A_314 = arith.muli %scan3A_312, %mul3A_313 : i32
      %add3A_315 = arith.constant 2 : i32
      %add3A_316 = arith.addi %add3A_315, %mul3A_314 : i32
      %add3A_317 = arith.constant 0 : i32
      %add3A_318 = arith.addi %add3A_316, %add3A_317 : i32
      %add3A_319 = arith.addi %mul3A_2, %add3A_318 : i32
      %sub3A_320 = arith.constant 2 : i32
      %sub3A_321 = arith.subi %add3A_319, %sub3A_320 : i32
      %dma_wait3A_322 = arith.constant 0 : i32
      %dma_wait3A_323 = arith.constant 0 : i32
      %dma_wait3A_324 = tpu.memref_slice %arg3[%sub3A_321, %dma_wait3A_322, %dma_wait3A_323] : memref<1024x1x16384xf32, #tpu.memory_space<hbm>> -> memref<1x1x16384xf32, #tpu.memory_space<hbm>>
      %dma_wait3A_325 = tpu.memref_squeeze %dma_wait3A_324 : memref<1x1x16384xf32, #tpu.memory_space<hbm>> -> memref<16384xf32, #tpu.memory_space<hbm>>
      %dma_wait3A_326 = arith.constant 0 : i32
      %dma_wait3A_327 = tpu.memref_slice %arg3[%sub3A_321, %dma_wait3A_322, %dma_wait3A_326] : memref<1024x1x16384xf32, #tpu.memory_space<hbm>> -> memref<1x1x16384xf32, #tpu.memory_space<hbm>>
      %dma_wait3A_328 = tpu.memref_squeeze %dma_wait3A_327 : memref<1x1x16384xf32, #tpu.memory_space<hbm>> -> memref<16384xf32, #tpu.memory_space<hbm>>
      tpu.wait_dma2 semaphore(%arg7 : memref<!tpu.dma_semaphore, #tpu.memory_space<semaphore_mem>>) src(%arg5 : memref<16384xf32, #tpu.memory_space<vmem>>) dst(%dma_wait3A_328 : memref<16384xf32, #tpu.memory_space<hbm>>)
      %broadcast_in_dim3A_329 = arith.constant 0xFF800000 : f32
      %broadcast_in_dim3A_330 = vector.broadcast %broadcast_in_dim3A_329 : f32 to vector<16xf32>
      %parallel_loop3A_331 = arith.constant 0 : i32
      %parallel_loop3A_332 = arith.constant 128 : i32
      %parallel_loop3A_333 = arith.constant 1 : i32
      %parallel_loop3A_334 = scf.for %parallel_loop3A_617 = %parallel_loop3A_331 to %parallel_loop3A_332 step %parallel_loop3A_333 iter_args(%parallel_loop3A_618 = %broadcast_in_dim3A_330) -> (vector<16xf32>)  : i32 {
        %parallel_loop3A_619 = arith.constant 16 : i32
        %parallel_loop3A_620 = arith.muli %parallel_loop3A_617, %parallel_loop3A_619 : i32
        %parallel_loop3A_621 = arith.index_cast %add3A_318 : i32 to index
        %parallel_loop3A_622 = arith.index_cast %parallel_loop3A_620 : i32 to index
        %parallel_loop3A_623 = tpu.vector_load %arg4[%parallel_loop3A_621, %parallel_loop3A_622] {strides = array<i32>} : memref<32x2048xf32, #tpu.memory_space<vmem>>, vector<16xf32>,
        %parallel_loop3A_624 = arith.maximumf %parallel_loop3A_618, %parallel_loop3A_623 : vector<16xf32>
        scf.yield %parallel_loop3A_624 : vector<16xf32>
      } {sc.loop_unroll_factor = 8 : i64, sc.parallel_access}
      %xor3A_335 = arith.constant 1 : i32
      %xor3A_336 = vector.broadcast %xor3A_335 : i32 to vector<16xi32>
      %xor3A_337 = arith.xori %iota3A, %xor3A_336 : vector<16xi32>
      %lt3A_338 = arith.constant 0 : i32
      %lt3A_339 = vector.broadcast %lt3A_338 : i32 to vector<16xi32>
      %lt3A_340 = arith.cmpi slt, %xor3A_337, %lt3A_339 : vector<16xi32>
      %add3A_341 = arith.constant 16 : i32
      %add3A_342 = vector.broadcast %add3A_341 : i32 to vector<16xi32>
      %add3A_343 = arith.addi %xor3A_337, %add3A_342 : vector<16xi32>
      %select_n3A_344 = arith.select %lt3A_340, %add3A_343, %xor3A_337 : vector<16xi1>, vector<16xi32>
      %broadcast_in_dim3A_345 = vector.shape_cast %select_n3A_344 : vector<16xi32> to vector<16x1xi32>
      %gather3A_346 = vector.shape_cast %broadcast_in_dim3A_345 : vector<16x1xi32> to vector<16xi32>
      %gather3A_347 = tpu.dynamic_gather %parallel_loop3A_334[%gather3A_346] in [0] : vector<16xf32>, vector<16xi32> -> vector<16xf32>
      %max3A_348 = arith.maximumf %parallel_loop3A_334, %gather3A_347 : vector<16xf32>
      %xor3A_349 = arith.constant 2 : i32
      %xor3A_350 = vector.broadcast %xor3A_349 : i32 to vector<16xi32>
      %xor3A_351 = arith.xori %iota3A, %xor3A_350 : vector<16xi32>
      %lt3A_352 = arith.constant 0 : i32
      %lt3A_353 = vector.broadcast %lt3A_352 : i32 to vector<16xi32>
      %lt3A_354 = arith.cmpi slt, %xor3A_351, %lt3A_353 : vector<16xi32>
      %add3A_355 = arith.constant 16 : i32
      %add3A_356 = vector.broadcast %add3A_355 : i32 to vector<16xi32>
      %add3A_357 = arith.addi %xor3A_351, %add3A_356 : vector<16xi32>
      %select_n3A_358 = arith.select %lt3A_354, %add3A_357, %xor3A_351 : vector<16xi1>, vector<16xi32>
      %broadcast_in_dim3A_359 = vector.shape_cast %select_n3A_358 : vector<16xi32> to vector<16x1xi32>
      %gather3A_360 = vector.shape_cast %broadcast_in_dim3A_359 : vector<16x1xi32> to vector<16xi32>
      %gather3A_361 = tpu.dynamic_gather %max3A_348[%gather3A_360] in [0] : vector<16xf32>, vector<16xi32> -> vector<16xf32>
      %max3A_362 = arith.maximumf %max3A_348, %gather3A_361 : vector<16xf32>
      %xor3A_363 = arith.constant 4 : i32
      %xor3A_364 = vector.broadcast %xor3A_363 : i32 to vector<16xi32>
      %xor3A_365 = arith.xori %iota3A, %xor3A_364 : vector<16xi32>
      %lt3A_366 = arith.constant 0 : i32
      %lt3A_367 = vector.broadcast %lt3A_366 : i32 to vector<16xi32>
      %lt3A_368 = arith.cmpi slt, %xor3A_365, %lt3A_367 : vector<16xi32>
      %add3A_369 = arith.constant 16 : i32
      %add3A_370 = vector.broadcast %add3A_369 : i32 to vector<16xi32>
      %add3A_371 = arith.addi %xor3A_365, %add3A_370 : vector<16xi32>
      %select_n3A_372 = arith.select %lt3A_368, %add3A_371, %xor3A_365 : vector<16xi1>, vector<16xi32>
      %broadcast_in_dim3A_373 = vector.shape_cast %select_n3A_372 : vector<16xi32> to vector<16x1xi32>
      %gather3A_374 = vector.shape_cast %broadcast_in_dim3A_373 : vector<16x1xi32> to vector<16xi32>
      %gather3A_375 = tpu.dynamic_gather %max3A_362[%gather3A_374] in [0] : vector<16xf32>, vector<16xi32> -> vector<16xf32>
      %max3A_376 = arith.maximumf %max3A_362, %gather3A_375 : vector<16xf32>
      %xor3A_377 = arith.constant 8 : i32
      %xor3A_378 = vector.broadcast %xor3A_377 : i32 to vector<16xi32>
      %xor3A_379 = arith.xori %iota3A, %xor3A_378 : vector<16xi32>
      %lt3A_380 = arith.constant 0 : i32
      %lt3A_381 = vector.broadcast %lt3A_380 : i32 to vector<16xi32>
      %lt3A_382 = arith.cmpi slt, %xor3A_379, %lt3A_381 : vector<16xi32>
      %add3A_383 = arith.constant 16 : i32
      %add3A_384 = vector.broadcast %add3A_383 : i32 to vector<16xi32>
      %add3A_385 = arith.addi %xor3A_379, %add3A_384 : vector<16xi32>
      %select_n3A_386 = arith.select %lt3A_382, %add3A_385, %xor3A_379 : vector<16xi1>, vector<16xi32>
      %broadcast_in_dim3A_387 = vector.shape_cast %select_n3A_386 : vector<16xi32> to vector<16x1xi32>
      %gather3A_388 = vector.shape_cast %broadcast_in_dim3A_387 : vector<16x1xi32> to vector<16xi32>
      %gather3A_389 = tpu.dynamic_gather %max3A_376[%gather3A_388] in [0] : vector<16xf32>, vector<16xi32> -> vector<16xf32>
      %max3A_390 = arith.maximumf %max3A_376, %gather3A_389 : vector<16xf32>
      %broadcast_in_dim3A_391 = arith.constant 0.000000e+00 : f32
      %broadcast_in_dim3A_392 = vector.broadcast %broadcast_in_dim3A_391 : f32 to vector<16xf32>
      %parallel_loop3A_393 = arith.constant 0 : i32
      %parallel_loop3A_394 = arith.constant 128 : i32
      %parallel_loop3A_395 = arith.constant 1 : i32
      %parallel_loop3A_396 = scf.for %parallel_loop3A_617 = %parallel_loop3A_393 to %parallel_loop3A_394 step %parallel_loop3A_395 iter_args(%parallel_loop3A_618 = %broadcast_in_dim3A_392) -> (vector<16xf32>)  : i32 {
        %parallel_loop3A_619 = arith.constant 16 : i32
        %parallel_loop3A_620 = arith.muli %parallel_loop3A_617, %parallel_loop3A_619 : i32
        %parallel_loop3A_621 = arith.index_cast %add3A_318 : i32 to index
        %parallel_loop3A_622 = arith.index_cast %parallel_loop3A_620 : i32 to index
        %parallel_loop3A_623 = tpu.vector_load %arg4[%parallel_loop3A_621, %parallel_loop3A_622] {strides = array<i32>} : memref<32x2048xf32, #tpu.memory_space<vmem>>, vector<16xf32>,
        %parallel_loop3A_624 = arith.subf %parallel_loop3A_623, %max3A_390 : vector<16xf32>
        %parallel_loop3A_625 = math.exp %parallel_loop3A_624 : vector<16xf32>
        %parallel_loop3A_626 = arith.addf %parallel_loop3A_618, %parallel_loop3A_625 : vector<16xf32>
        scf.yield %parallel_loop3A_626 : vector<16xf32>
      } {sc.loop_unroll_factor = 8 : i64, sc.parallel_access}
      %xor3A_397 = arith.constant 1 : i32
      %xor3A_398 = vector.broadcast %xor3A_397 : i32 to vector<16xi32>
      %xor3A_399 = arith.xori %iota3A, %xor3A_398 : vector<16xi32>
      %lt3A_400 = arith.constant 0 : i32
      %lt3A_401 = vector.broadcast %lt3A_400 : i32 to vector<16xi32>
      %lt3A_402 = arith.cmpi slt, %xor3A_399, %lt3A_401 : vector<16xi32>
      %add3A_403 = arith.constant 16 : i32
      %add3A_404 = vector.broadcast %add3A_403 : i32 to vector<16xi32>
      %add3A_405 = arith.addi %xor3A_399, %add3A_404 : vector<16xi32>
      %select_n3A_406 = arith.select %lt3A_402, %add3A_405, %xor3A_399 : vector<16xi1>, vector<16xi32>
      %broadcast_in_dim3A_407 = vector.shape_cast %select_n3A_406 : vector<16xi32> to vector<16x1xi32>
      %gather3A_408 = vector.shape_cast %broadcast_in_dim3A_407 : vector<16x1xi32> to vector<16xi32>
      %gather3A_409 = tpu.dynamic_gather %parallel_loop3A_396[%gather3A_408] in [0] : vector<16xf32>, vector<16xi32> -> vector<16xf32>
      %add3A_410 = arith.addf %parallel_loop3A_396, %gather3A_409 : vector<16xf32>
      %xor3A_411 = arith.constant 2 : i32
      %xor3A_412 = vector.broadcast %xor3A_411 : i32 to vector<16xi32>
      %xor3A_413 = arith.xori %iota3A, %xor3A_412 : vector<16xi32>
      %lt3A_414 = arith.constant 0 : i32
      %lt3A_415 = vector.broadcast %lt3A_414 : i32 to vector<16xi32>
      %lt3A_416 = arith.cmpi slt, %xor3A_413, %lt3A_415 : vector<16xi32>
      %add3A_417 = arith.constant 16 : i32
      %add3A_418 = vector.broadcast %add3A_417 : i32 to vector<16xi32>
      %add3A_419 = arith.addi %xor3A_413, %add3A_418 : vector<16xi32>
      %select_n3A_420 = arith.select %lt3A_416, %add3A_419, %xor3A_413 : vector<16xi1>, vector<16xi32>
      %broadcast_in_dim3A_421 = vector.shape_cast %select_n3A_420 : vector<16xi32> to vector<16x1xi32>
      %gather3A_422 = vector.shape_cast %broadcast_in_dim3A_421 : vector<16x1xi32> to vector<16xi32>
      %gather3A_423 = tpu.dynamic_gather %add3A_410[%gather3A_422] in [0] : vector<16xf32>, vector<16xi32> -> vector<16xf32>
      %add3A_424 = arith.addf %add3A_410, %gather3A_423 : vector<16xf32>
      %xor3A_425 = arith.constant 4 : i32
      %xor3A_426 = vector.broadcast %xor3A_425 : i32 to vector<16xi32>
      %xor3A_427 = arith.xori %iota3A, %xor3A_426 : vector<16xi32>
      %lt3A_428 = arith.constant 0 : i32
      %lt3A_429 = vector.broadcast %lt3A_428 : i32 to vector<16xi32>
      %lt3A_430 = arith.cmpi slt, %xor3A_427, %lt3A_429 : vector<16xi32>
      %add3A_431 = arith.constant 16 : i32
      %add3A_432 = vector.broadcast %add3A_431 : i32 to vector<16xi32>
      %add3A_433 = arith.addi %xor3A_427, %add3A_432 : vector<16xi32>
      %select_n3A_434 = arith.select %lt3A_430, %add3A_433, %xor3A_427 : vector<16xi1>, vector<16xi32>
      %broadcast_in_dim3A_435 = vector.shape_cast %select_n3A_434 : vector<16xi32> to vector<16x1xi32>
      %gather3A_436 = vector.shape_cast %broadcast_in_dim3A_435 : vector<16x1xi32> to vector<16xi32>
      %gather3A_437 = tpu.dynamic_gather %add3A_424[%gather3A_436] in [0] : vector<16xf32>, vector<16xi32> -> vector<16xf32>
      %add3A_438 = arith.addf %add3A_424, %gather3A_437 : vector<16xf32>
      %xor3A_439 = arith.constant 8 : i32
      %xor3A_440 = vector.broadcast %xor3A_439 : i32 to vector<16xi32>
      %xor3A_441 = arith.xori %iota3A, %xor3A_440 : vector<16xi32>
      %lt3A_442 = arith.constant 0 : i32
      %lt3A_443 = vector.broadcast %lt3A_442 : i32 to vector<16xi32>
      %lt3A_444 = arith.cmpi slt, %xor3A_441, %lt3A_443 : vector<16xi32>
      %add3A_445 = arith.constant 16 : i32
      %add3A_446 = vector.broadcast %add3A_445 : i32 to vector<16xi32>
      %add3A_447 = arith.addi %xor3A_441, %add3A_446 : vector<16xi32>
      %select_n3A_448 = arith.select %lt3A_444, %add3A_447, %xor3A_441 : vector<16xi1>, vector<16xi32>
      %broadcast_in_dim3A_449 = vector.shape_cast %select_n3A_448 : vector<16xi32> to vector<16x1xi32>
      %gather3A_450 = vector.shape_cast %broadcast_in_dim3A_449 : vector<16x1xi32> to vector<16xi32>
      %gather3A_451 = tpu.dynamic_gather %add3A_438[%gather3A_450] in [0] : vector<16xf32>, vector<16xi32> -> vector<16xf32>
      %add3A_452 = arith.addf %add3A_438, %gather3A_451 : vector<16xf32>
      %div3A_453 = arith.constant 1.000000e+00 : f32
      %div3A_454 = vector.broadcast %div3A_453 : f32 to vector<16xf32>
      %div3A_455 = arith.divf %div3A_454, %add3A_452 : vector<16xf32>
      %parallel_loop3A_456 = arith.constant 0 : i32
      %parallel_loop3A_457 = arith.constant 128 : i32
      %parallel_loop3A_458 = arith.constant 1 : i32
      scf.for %parallel_loop3A_617 = %parallel_loop3A_456 to %parallel_loop3A_457 step %parallel_loop3A_458  : i32 {
        %parallel_loop3A_618 = arith.constant 16 : i32
        %parallel_loop3A_619 = arith.muli %parallel_loop3A_617, %parallel_loop3A_618 : i32
        %parallel_loop3A_620 = arith.index_cast %add3A_318 : i32 to index
        %parallel_loop3A_621 = arith.index_cast %parallel_loop3A_619 : i32 to index
        %parallel_loop3A_622 = tpu.vector_load %arg4[%parallel_loop3A_620, %parallel_loop3A_621] {strides = array<i32>} : memref<32x2048xf32, #tpu.memory_space<vmem>>, vector<16xf32>,
        %parallel_loop3A_623 = arith.subf %parallel_loop3A_622, %max3A_390 : vector<16xf32>
        %parallel_loop3A_624 = math.exp %parallel_loop3A_623 : vector<16xf32>
        %parallel_loop3A_625 = arith.mulf %parallel_loop3A_624, %div3A_455 : vector<16xf32>
        %parallel_loop3A_626 = arith.constant 128 : i32
        %parallel_loop3A_627 = arith.muli %parallel_loop3A_617, %parallel_loop3A_626 : i32
        %parallel_loop3A_628 = vector.broadcast %parallel_loop3A_627 : i32 to vector<16xi32>
        %parallel_loop3A_629 = arith.addi %parallel_loop3A_628, %mul3A_14 : vector<16xi32>
        tpu.vector_store_idx %arg5[%parallel_loop3A_629], %parallel_loop3A_625 : memref<16384xf32, #tpu.memory_space<vmem>>[vector<16xi32>], vector<16xf32>,
      } {sc.loop_unroll_factor = 8 : i64, sc.parallel_access}
      %add3A_459 = arith.addi %mul3A_2, %add3A_318 : i32
      %dma_start3A_460 = arith.constant 0 : i32
      %dma_start3A_461 = arith.constant 0 : i32
      %dma_start3A_462 = tpu.memref_slice %arg3[%add3A_459, %dma_start3A_460, %dma_start3A_461] : memref<1024x1x16384xf32, #tpu.memory_space<hbm>> -> memref<1x1x16384xf32, #tpu.memory_space<hbm>>
      %dma_start3A_463 = tpu.memref_squeeze %dma_start3A_462 : memref<1x1x16384xf32, #tpu.memory_space<hbm>> -> memref<16384xf32, #tpu.memory_space<hbm>>
      %dma_start3A_464 = arith.constant 0 : i32
      %dma_start3A_465 = tpu.memref_slice %arg3[%add3A_459, %dma_start3A_460, %dma_start3A_464] : memref<1024x1x16384xf32, #tpu.memory_space<hbm>> -> memref<1x1x16384xf32, #tpu.memory_space<hbm>>
      %dma_start3A_466 = tpu.memref_squeeze %dma_start3A_465 : memref<1x1x16384xf32, #tpu.memory_space<hbm>> -> memref<16384xf32, #tpu.memory_space<hbm>>
      tpu.enqueue_dma source(%arg5 : memref<16384xf32, #tpu.memory_space<vmem>>) target(%dma_start3A_466 : memref<16384xf32, #tpu.memory_space<hbm>>) target_semaphore(%arg7 : memref<!tpu.dma_semaphore, #tpu.memory_space<semaphore_mem>>)
      %add3A_467 = arith.constant 1 : i32
      %add3A_468 = arith.addi %add3A_316, %add3A_467 : i32
      %add3A_469 = arith.addi %mul3A_2, %add3A_468 : i32
      %sub3A_470 = arith.constant 2 : i32
      %sub3A_471 = arith.subi %add3A_469, %sub3A_470 : i32
      %dma_wait3A_472 = arith.constant 0 : i32
      %dma_wait3A_473 = arith.constant 0 : i32
      %dma_wait3A_474 = tpu.memref_slice %arg3[%sub3A_471, %dma_wait3A_472, %dma_wait3A_473] : memref<1024x1x16384xf32, #tpu.memory_space<hbm>> -> memref<1x1x16384xf32, #tpu.memory_space<hbm>>
      %dma_wait3A_475 = tpu.memref_squeeze %dma_wait3A_474 : memref<1x1x16384xf32, #tpu.memory_space<hbm>> -> memref<16384xf32, #tpu.memory_space<hbm>>
      %dma_wait3A_476 = arith.constant 0 : i32
      %dma_wait3A_477 = tpu.memref_slice %arg3[%sub3A_471, %dma_wait3A_472, %dma_wait3A_476] : memref<1024x1x16384xf32, #tpu.memory_space<hbm>> -> memref<1x1x16384xf32, #tpu.memory_space<hbm>>
      %dma_wait3A_478 = tpu.memref_squeeze %dma_wait3A_477 : memref<1x1x16384xf32, #tpu.memory_space<hbm>> -> memref<16384xf32, #tpu.memory_space<hbm>>
      tpu.wait_dma2 semaphore(%arg8 : memref<!tpu.dma_semaphore, #tpu.memory_space<semaphore_mem>>) src(%arg6 : memref<16384xf32, #tpu.memory_space<vmem>>) dst(%dma_wait3A_478 : memref<16384xf32, #tpu.memory_space<hbm>>)
      %broadcast_in_dim3A_479 = arith.constant 0xFF800000 : f32
      %broadcast_in_dim3A_480 = vector.broadcast %broadcast_in_dim3A_479 : f32 to vector<16xf32>
      %parallel_loop3A_481 = arith.constant 0 : i32
      %parallel_loop3A_482 = arith.constant 128 : i32
      %parallel_loop3A_483 = arith.constant 1 : i32
      %parallel_loop3A_484 = scf.for %parallel_loop3A_617 = %parallel_loop3A_481 to %parallel_loop3A_482 step %parallel_loop3A_483 iter_args(%parallel_loop3A_618 = %broadcast_in_dim3A_480) -> (vector<16xf32>)  : i32 {
        %parallel_loop3A_619 = arith.constant 16 : i32
        %parallel_loop3A_620 = arith.muli %parallel_loop3A_617, %parallel_loop3A_619 : i32
        %parallel_loop3A_621 = arith.index_cast %add3A_468 : i32 to index
        %parallel_loop3A_622 = arith.index_cast %parallel_loop3A_620 : i32 to index
        %parallel_loop3A_623 = tpu.vector_load %arg4[%parallel_loop3A_621, %parallel_loop3A_622] {strides = array<i32>} : memref<32x2048xf32, #tpu.memory_space<vmem>>, vector<16xf32>,
        %parallel_loop3A_624 = arith.maximumf %parallel_loop3A_618, %parallel_loop3A_623 : vector<16xf32>
        scf.yield %parallel_loop3A_624 : vector<16xf32>
      } {sc.loop_unroll_factor = 8 : i64, sc.parallel_access}
      %xor3A_485 = arith.constant 1 : i32
      %xor3A_486 = vector.broadcast %xor3A_485 : i32 to vector<16xi32>
      %xor3A_487 = arith.xori %iota3A, %xor3A_486 : vector<16xi32>
      %lt3A_488 = arith.constant 0 : i32
      %lt3A_489 = vector.broadcast %lt3A_488 : i32 to vector<16xi32>
      %lt3A_490 = arith.cmpi slt, %xor3A_487, %lt3A_489 : vector<16xi32>
      %add3A_491 = arith.constant 16 : i32
      %add3A_492 = vector.broadcast %add3A_491 : i32 to vector<16xi32>
      %add3A_493 = arith.addi %xor3A_487, %add3A_492 : vector<16xi32>
      %select_n3A_494 = arith.select %lt3A_490, %add3A_493, %xor3A_487 : vector<16xi1>, vector<16xi32>
      %broadcast_in_dim3A_495 = vector.shape_cast %select_n3A_494 : vector<16xi32> to vector<16x1xi32>
      %gather3A_496 = vector.shape_cast %broadcast_in_dim3A_495 : vector<16x1xi32> to vector<16xi32>
      %gather3A_497 = tpu.dynamic_gather %parallel_loop3A_484[%gather3A_496] in [0] : vector<16xf32>, vector<16xi32> -> vector<16xf32>
      %max3A_498 = arith.maximumf %parallel_loop3A_484, %gather3A_497 : vector<16xf32>
      %xor3A_499 = arith.constant 2 : i32
      %xor3A_500 = vector.broadcast %xor3A_499 : i32 to vector<16xi32>
      %xor3A_501 = arith.xori %iota3A, %xor3A_500 : vector<16xi32>
      %lt3A_502 = arith.constant 0 : i32
      %lt3A_503 = vector.broadcast %lt3A_502 : i32 to vector<16xi32>
      %lt3A_504 = arith.cmpi slt, %xor3A_501, %lt3A_503 : vector<16xi32>
      %add3A_505 = arith.constant 16 : i32
      %add3A_506 = vector.broadcast %add3A_505 : i32 to vector<16xi32>
      %add3A_507 = arith.addi %xor3A_501, %add3A_506 : vector<16xi32>
      %select_n3A_508 = arith.select %lt3A_504, %add3A_507, %xor3A_501 : vector<16xi1>, vector<16xi32>
      %broadcast_in_dim3A_509 = vector.shape_cast %select_n3A_508 : vector<16xi32> to vector<16x1xi32>
      %gather3A_510 = vector.shape_cast %broadcast_in_dim3A_509 : vector<16x1xi32> to vector<16xi32>
      %gather3A_511 = tpu.dynamic_gather %max3A_498[%gather3A_510] in [0] : vector<16xf32>, vector<16xi32> -> vector<16xf32>
      %max3A_512 = arith.maximumf %max3A_498, %gather3A_511 : vector<16xf32>
      %xor3A_513 = arith.constant 4 : i32
      %xor3A_514 = vector.broadcast %xor3A_513 : i32 to vector<16xi32>
      %xor3A_515 = arith.xori %iota3A, %xor3A_514 : vector<16xi32>
      %lt3A_516 = arith.constant 0 : i32
      %lt3A_517 = vector.broadcast %lt3A_516 : i32 to vector<16xi32>
      %lt3A_518 = arith.cmpi slt, %xor3A_515, %lt3A_517 : vector<16xi32>
      %add3A_519 = arith.constant 16 : i32
      %add3A_520 = vector.broadcast %add3A_519 : i32 to vector<16xi32>
      %add3A_521 = arith.addi %xor3A_515, %add3A_520 : vector<16xi32>
      %select_n3A_522 = arith.select %lt3A_518, %add3A_521, %xor3A_515 : vector<16xi1>, vector<16xi32>
      %broadcast_in_dim3A_523 = vector.shape_cast %select_n3A_522 : vector<16xi32> to vector<16x1xi32>
      %gather3A_524 = vector.shape_cast %broadcast_in_dim3A_523 : vector<16x1xi32> to vector<16xi32>
      %gather3A_525 = tpu.dynamic_gather %max3A_512[%gather3A_524] in [0] : vector<16xf32>, vector<16xi32> -> vector<16xf32>
      %max3A_526 = arith.maximumf %max3A_512, %gather3A_525 : vector<16xf32>
      %xor3A_527 = arith.constant 8 : i32
      %xor3A_528 = vector.broadcast %xor3A_527 : i32 to vector<16xi32>
      %xor3A_529 = arith.xori %iota3A, %xor3A_528 : vector<16xi32>
      %lt3A_530 = arith.constant 0 : i32
      %lt3A_531 = vector.broadcast %lt3A_530 : i32 to vector<16xi32>
      %lt3A_532 = arith.cmpi slt, %xor3A_529, %lt3A_531 : vector<16xi32>
      %add3A_533 = arith.constant 16 : i32
      %add3A_534 = vector.broadcast %add3A_533 : i32 to vector<16xi32>
      %add3A_535 = arith.addi %xor3A_529, %add3A_534 : vector<16xi32>
      %select_n3A_536 = arith.select %lt3A_532, %add3A_535, %xor3A_529 : vector<16xi1>, vector<16xi32>
      %broadcast_in_dim3A_537 = vector.shape_cast %select_n3A_536 : vector<16xi32> to vector<16x1xi32>
      %gather3A_538 = vector.shape_cast %broadcast_in_dim3A_537 : vector<16x1xi32> to vector<16xi32>
      %gather3A_539 = tpu.dynamic_gather %max3A_526[%gather3A_538] in [0] : vector<16xf32>, vector<16xi32> -> vector<16xf32>
      %max3A_540 = arith.maximumf %max3A_526, %gather3A_539 : vector<16xf32>
      %broadcast_in_dim3A_541 = arith.constant 0.000000e+00 : f32
      %broadcast_in_dim3A_542 = vector.broadcast %broadcast_in_dim3A_541 : f32 to vector<16xf32>
      %parallel_loop3A_543 = arith.constant 0 : i32
      %parallel_loop3A_544 = arith.constant 128 : i32
      %parallel_loop3A_545 = arith.constant 1 : i32
      %parallel_loop3A_546 = scf.for %parallel_loop3A_617 = %parallel_loop3A_543 to %parallel_loop3A_544 step %parallel_loop3A_545 iter_args(%parallel_loop3A_618 = %broadcast_in_dim3A_542) -> (vector<16xf32>)  : i32 {
        %parallel_loop3A_619 = arith.constant 16 : i32
        %parallel_loop3A_620 = arith.muli %parallel_loop3A_617, %parallel_loop3A_619 : i32
        %parallel_loop3A_621 = arith.index_cast %add3A_468 : i32 to index
        %parallel_loop3A_622 = arith.index_cast %parallel_loop3A_620 : i32 to index
        %parallel_loop3A_623 = tpu.vector_load %arg4[%parallel_loop3A_621, %parallel_loop3A_622] {strides = array<i32>} : memref<32x2048xf32, #tpu.memory_space<vmem>>, vector<16xf32>,
        %parallel_loop3A_624 = arith.subf %parallel_loop3A_623, %max3A_540 : vector<16xf32>
        %parallel_loop3A_625 = math.exp %parallel_loop3A_624 : vector<16xf32>
        %parallel_loop3A_626 = arith.addf %parallel_loop3A_618, %parallel_loop3A_625 : vector<16xf32>
        scf.yield %parallel_loop3A_626 : vector<16xf32>
      } {sc.loop_unroll_factor = 8 : i64, sc.parallel_access}
      %xor3A_547 = arith.constant 1 : i32
      %xor3A_548 = vector.broadcast %xor3A_547 : i32 to vector<16xi32>
      %xor3A_549 = arith.xori %iota3A, %xor3A_548 : vector<16xi32>
      %lt3A_550 = arith.constant 0 : i32
      %lt3A_551 = vector.broadcast %lt3A_550 : i32 to vector<16xi32>
      %lt3A_552 = arith.cmpi slt, %xor3A_549, %lt3A_551 : vector<16xi32>
      %add3A_553 = arith.constant 16 : i32
      %add3A_554 = vector.broadcast %add3A_553 : i32 to vector<16xi32>
      %add3A_555 = arith.addi %xor3A_549, %add3A_554 : vector<16xi32>
      %select_n3A_556 = arith.select %lt3A_552, %add3A_555, %xor3A_549 : vector<16xi1>, vector<16xi32>
      %broadcast_in_dim3A_557 = vector.shape_cast %select_n3A_556 : vector<16xi32> to vector<16x1xi32>
      %gather3A_558 = vector.shape_cast %broadcast_in_dim3A_557 : vector<16x1xi32> to vector<16xi32>
      %gather3A_559 = tpu.dynamic_gather %parallel_loop3A_546[%gather3A_558] in [0] : vector<16xf32>, vector<16xi32> -> vector<16xf32>
      %add3A_560 = arith.addf %parallel_loop3A_546, %gather3A_559 : vector<16xf32>
      %xor3A_561 = arith.constant 2 : i32
      %xor3A_562 = vector.broadcast %xor3A_561 : i32 to vector<16xi32>
      %xor3A_563 = arith.xori %iota3A, %xor3A_562 : vector<16xi32>
      %lt3A_564 = arith.constant 0 : i32
      %lt3A_565 = vector.broadcast %lt3A_564 : i32 to vector<16xi32>
      %lt3A_566 = arith.cmpi slt, %xor3A_563, %lt3A_565 : vector<16xi32>
      %add3A_567 = arith.constant 16 : i32
      %add3A_568 = vector.broadcast %add3A_567 : i32 to vector<16xi32>
      %add3A_569 = arith.addi %xor3A_563, %add3A_568 : vector<16xi32>
      %select_n3A_570 = arith.select %lt3A_566, %add3A_569, %xor3A_563 : vector<16xi1>, vector<16xi32>
      %broadcast_in_dim3A_571 = vector.shape_cast %select_n3A_570 : vector<16xi32> to vector<16x1xi32>
      %gather3A_572 = vector.shape_cast %broadcast_in_dim3A_571 : vector<16x1xi32> to vector<16xi32>
      %gather3A_573 = tpu.dynamic_gather %add3A_560[%gather3A_572] in [0] : vector<16xf32>, vector<16xi32> -> vector<16xf32>
      %add3A_574 = arith.addf %add3A_560, %gather3A_573 : vector<16xf32>
      %xor3A_575 = arith.constant 4 : i32
      %xor3A_576 = vector.broadcast %xor3A_575 : i32 to vector<16xi32>
      %xor3A_577 = arith.xori %iota3A, %xor3A_576 : vector<16xi32>
      %lt3A_578 = arith.constant 0 : i32
      %lt3A_579 = vector.broadcast %lt3A_578 : i32 to vector<16xi32>
      %lt3A_580 = arith.cmpi slt, %xor3A_577, %lt3A_579 : vector<16xi32>
      %add3A_581 = arith.constant 16 : i32
      %add3A_582 = vector.broadcast %add3A_581 : i32 to vector<16xi32>
      %add3A_583 = arith.addi %xor3A_577, %add3A_582 : vector<16xi32>
      %select_n3A_584 = arith.select %lt3A_580, %add3A_583, %xor3A_577 : vector<16xi1>, vector<16xi32>
      %broadcast_in_dim3A_585 = vector.shape_cast %select_n3A_584 : vector<16xi32> to vector<16x1xi32>
      %gather3A_586 = vector.shape_cast %broadcast_in_dim3A_585 : vector<16x1xi32> to vector<16xi32>
      %gather3A_587 = tpu.dynamic_gather %add3A_574[%gather3A_586] in [0] : vector<16xf32>, vector<16xi32> -> vector<16xf32>
      %add3A_588 = arith.addf %add3A_574, %gather3A_587 : vector<16xf32>
      %xor3A_589 = arith.constant 8 : i32
      %xor3A_590 = vector.broadcast %xor3A_589 : i32 to vector<16xi32>
      %xor3A_591 = arith.xori %iota3A, %xor3A_590 : vector<16xi32>
      %lt3A_592 = arith.constant 0 : i32
      %lt3A_593 = vector.broadcast %lt3A_592 : i32 to vector<16xi32>
      %lt3A_594 = arith.cmpi slt, %xor3A_591, %lt3A_593 : vector<16xi32>
      %add3A_595 = arith.constant 16 : i32
      %add3A_596 = vector.broadcast %add3A_595 : i32 to vector<16xi32>
      %add3A_597 = arith.addi %xor3A_591, %add3A_596 : vector<16xi32>
      %select_n3A_598 = arith.select %lt3A_594, %add3A_597, %xor3A_591 : vector<16xi1>, vector<16xi32>
      %broadcast_in_dim3A_599 = vector.shape_cast %select_n3A_598 : vector<16xi32> to vector<16x1xi32>
      %gather3A_600 = vector.shape_cast %broadcast_in_dim3A_599 : vector<16x1xi32> to vector<16xi32>
      %gather3A_601 = tpu.dynamic_gather %add3A_588[%gather3A_600] in [0] : vector<16xf32>, vector<16xi32> -> vector<16xf32>
      %add3A_602 = arith.addf %add3A_588, %gather3A_601 : vector<16xf32>
      %div3A_603 = arith.constant 1.000000e+00 : f32
      %div3A_604 = vector.broadcast %div3A_603 : f32 to vector<16xf32>
      %div3A_605 = arith.divf %div3A_604, %add3A_602 : vector<16xf32>
      %parallel_loop3A_606 = arith.constant 0 : i32
      %parallel_loop3A_607 = arith.constant 128 : i32
      %parallel_loop3A_608 = arith.constant 1 : i32
      scf.for %parallel_loop3A_617 = %parallel_loop3A_606 to %parallel_loop3A_607 step %parallel_loop3A_608  : i32 {
        %parallel_loop3A_618 = arith.constant 16 : i32
        %parallel_loop3A_619 = arith.muli %parallel_loop3A_617, %parallel_loop3A_618 : i32
        %parallel_loop3A_620 = arith.index_cast %add3A_468 : i32 to index
        %parallel_loop3A_621 = arith.index_cast %parallel_loop3A_619 : i32 to index
        %parallel_loop3A_622 = tpu.vector_load %arg4[%parallel_loop3A_620, %parallel_loop3A_621] {strides = array<i32>} : memref<32x2048xf32, #tpu.memory_space<vmem>>, vector<16xf32>,
        %parallel_loop3A_623 = arith.subf %parallel_loop3A_622, %max3A_540 : vector<16xf32>
        %parallel_loop3A_624 = math.exp %parallel_loop3A_623 : vector<16xf32>
        %parallel_loop3A_625 = arith.mulf %parallel_loop3A_624, %div3A_605 : vector<16xf32>
        %parallel_loop3A_626 = arith.constant 128 : i32
        %parallel_loop3A_627 = arith.muli %parallel_loop3A_617, %parallel_loop3A_626 : i32
        %parallel_loop3A_628 = vector.broadcast %parallel_loop3A_627 : i32 to vector<16xi32>
        %parallel_loop3A_629 = arith.addi %parallel_loop3A_628, %mul3A_14 : vector<16xi32>
        tpu.vector_store_idx %arg6[%parallel_loop3A_629], %parallel_loop3A_625 : memref<16384xf32, #tpu.memory_space<vmem>>[vector<16xi32>], vector<16xf32>,
      } {sc.loop_unroll_factor = 8 : i64, sc.parallel_access}
      %add3A_609 = arith.addi %mul3A_2, %add3A_468 : i32
      %dma_start3A_610 = arith.constant 0 : i32
      %dma_start3A_611 = arith.constant 0 : i32
      %dma_start3A_612 = tpu.memref_slice %arg3[%add3A_609, %dma_start3A_610, %dma_start3A_611] : memref<1024x1x16384xf32, #tpu.memory_space<hbm>> -> memref<1x1x16384xf32, #tpu.memory_space<hbm>>
      %dma_start3A_613 = tpu.memref_squeeze %dma_start3A_612 : memref<1x1x16384xf32, #tpu.memory_space<hbm>> -> memref<16384xf32, #tpu.memory_space<hbm>>
      %dma_start3A_614 = arith.constant 0 : i32
      %dma_start3A_615 = tpu.memref_slice %arg3[%add3A_609, %dma_start3A_610, %dma_start3A_614] : memref<1024x1x16384xf32, #tpu.memory_space<hbm>> -> memref<1x1x16384xf32, #tpu.memory_space<hbm>>
      %dma_start3A_616 = tpu.memref_squeeze %dma_start3A_615 : memref<1x1x16384xf32, #tpu.memory_space<hbm>> -> memref<16384xf32, #tpu.memory_space<hbm>>
      tpu.enqueue_dma source(%arg6 : memref<16384xf32, #tpu.memory_space<vmem>>) target(%dma_start3A_616 : memref<16384xf32, #tpu.memory_space<hbm>>) target_semaphore(%arg8 : memref<!tpu.dma_semaphore, #tpu.memory_space<semaphore_mem>>)
    }
    %scan3A_290 = arith.constant 15 : i32
    %add3A_291 = arith.constant 32 : i32
    %add3A_292 = arith.addi %mul3A_2, %add3A_291 : i32
    %sub3A = arith.constant 2 : i32
    %sub3A_293 = arith.subi %add3A_292, %sub3A : i32
    %dma_wait3A_294 = arith.constant 0 : i32
    %dma_wait3A_295 = arith.constant 0 : i32
    %dma_wait3A_296 = tpu.memref_slice %arg3[%sub3A_293, %dma_wait3A_294, %dma_wait3A_295] : memref<1024x1x16384xf32, #tpu.memory_space<hbm>> -> memref<1x1x16384xf32, #tpu.memory_space<hbm>>
    %dma_wait3A_297 = tpu.memref_squeeze %dma_wait3A_296 : memref<1x1x16384xf32, #tpu.memory_space<hbm>> -> memref<16384xf32, #tpu.memory_space<hbm>>
    %dma_wait3A_298 = arith.constant 0 : i32
    %dma_wait3A_299 = tpu.memref_slice %arg3[%sub3A_293, %dma_wait3A_294, %dma_wait3A_298] : memref<1024x1x16384xf32, #tpu.memory_space<hbm>> -> memref<1x1x16384xf32, #tpu.memory_space<hbm>>
    %dma_wait3A_300 = tpu.memref_squeeze %dma_wait3A_299 : memref<1x1x16384xf32, #tpu.memory_space<hbm>> -> memref<16384xf32, #tpu.memory_space<hbm>>
    tpu.wait_dma2 semaphore(%arg7 : memref<!tpu.dma_semaphore, #tpu.memory_space<semaphore_mem>>) src(%arg5 : memref<16384xf32, #tpu.memory_space<vmem>>) dst(%dma_wait3A_300 : memref<16384xf32, #tpu.memory_space<hbm>>)
    %add3A_301 = arith.constant 32 : i32
    %add3A_302 = arith.addi %mul3A_2, %add3A_301 : i32
    %sub3A_303 = arith.constant 1 : i32
    %sub3A_304 = arith.subi %add3A_302, %sub3A_303 : i32
    %dma_wait3A_305 = arith.constant 0 : i32
    %dma_wait3A_306 = arith.constant 0 : i32
    %dma_wait3A_307 = tpu.memref_slice %arg3[%sub3A_304, %dma_wait3A_305, %dma_wait3A_306] : memref<1024x1x16384xf32, #tpu.memory_space<hbm>> -> memref<1x1x16384xf32, #tpu.memory_space<hbm>>
    %dma_wait3A_308 = tpu.memref_squeeze %dma_wait3A_307 : memref<1x1x16384xf32, #tpu.memory_space<hbm>> -> memref<16384xf32, #tpu.memory_space<hbm>>
    %dma_wait3A_309 = arith.constant 0 : i32
    %dma_wait3A_310 = tpu.memref_slice %arg3[%sub3A_304, %dma_wait3A_305, %dma_wait3A_309] : memref<1024x1x16384xf32, #tpu.memory_space<hbm>> -> memref<1x1x16384xf32, #tpu.memory_space<hbm>>
    %dma_wait3A_311 = tpu.memref_squeeze %dma_wait3A_310 : memref<1x1x16384xf32, #tpu.memory_space<hbm>> -> memref<16384xf32, #tpu.memory_space<hbm>>
    tpu.wait_dma2 semaphore(%arg8 : memref<!tpu.dma_semaphore, #tpu.memory_space<semaphore_mem>>) src(%arg6 : memref<16384xf32, #tpu.memory_space<vmem>>) dst(%dma_wait3A_311 : memref<16384xf32, #tpu.memory_space<hbm>>)
    return
  }
}

</mosaic_0001>

<sc_bundles>
// kernel: kernel.3.cloned.1.call-start
scs
__scs_entry_jumppad:
0x0: {  	(pc) =	sbr.rel $0x88, $3  }
0x1: {  	(tag) =	ssettag $0x0;
	lr =	simm.s32 $0x1  }
0x2: {  	[smem:$0x3FA0] =	sst lr;
	_ =	strace $0xD0000000  }
0x3: {  	_ = 	snop  }
0x4: {  	_ = 	snop  }
0x5: {  	_ = 	snop  }
0x6: {  	_ = 	snop  }
0x7: {  	_ = 	snop  }
__scs_overlays_trampoline_lowered:
0x8: {  	[smem:$0x3FAF] =	sst s0  }
0x9: {  	[smem:$0x3FB0] =	sst s1  }
0xa: {  	[smem:$0x3FB1] =	sst s2  }
0xb: {  	[smem:$0x3FB2] =	sst s3  }
0xc: {  	[smem:$0x3FB3] =	sst s4  }
0xd: {  	[smem:$0x3FB4] =	sst s5  }
0xe: {  	[smem:$0x3FB5] =	sst s6  }
0xf: {  	[smem:$0x3FB6] =	sst s7  }
0x10: {  	[smem:$0x3FB7] =	sst s8  }
0x11: {  	[smem:$0x3FB8] =	sst s9;
	s0 =	simm.s32 @!p0 $0x0  }
0x12: {  	s1 =	sld [smem:$0x3F9E];
	s0 =	simm.s32 @p0 $0x1  }
0x13: {  	[smem:$0x3FB9] =	sst s0;
	s0 =	simm.s32 @!p1 $0x0  }
0x14: {  	s2 =	sld [smem:$0x3F9D];
	s0 =	simm.s32 @p1 $0x1  }
0x15: {  	[smem:$0x3FBA] =	sst s0;
	s0 =	simm.s32 @!p2 $0x0  }
0x16: {  	s3 =	sld [smem:$0x3FDB];
	s0 =	simm.s32 @p2 $0x1  }
0x17: {  	s4 =	simm.s32 $0x1BF5;
	[smem:$0x3FBC] =	sst s0  }
0x18: {  	s0 =	sld [smem:$0x3F9F];
	_ =	swait.ge [sflag:s4], $0x0  }
0x19: {  	s7 =	sld [smem:$0x3FA0]  }
0x1a: {  	s8 =	sadd.s32 $0xFFFFE003, lr  }
0x1b: {  	s9 =	sadd.s32 $0xFFFFFEF7, lr;
	s5 =	simm.s32 $0xFFFFFFFF;
	p2 =	slt.u32 s8, $0xFFFFF086  }
0x1c: {  	p1 =	slt.u32 s9, $0xF7A;
	s5 =	simm.s32 @!p2 $0x0  }
0x1d: {  	s5 =	simm.s32 @p1 $0x1;
	p0 =	seq.s32 s7, s2  }
0x1e: {  	s7 =	smul.u32 @!p0 $0xF7A, s2;
	p2 =	seq.s32 @!p0 s5, $0x0  }
0x1f: {  	s9 =	smul.u32 $0xF7A, s1;
	s8 =	simm.s32 @!p0 $0x1BF5;
	p2 =	por !p2, p0  }
0x20: {  	[sflag:s8] =	ssyncset.s32 @!p0 $0xFFFFF086;
	s6 =	sadd.s32 @!p0 s3, s7;
	s7 =	simm.s32 @!p0 $0x108  }
0x21: {  	s3 =	sadd.s32 s3, s9;
	s6 =	sadd.s32 @!p0 $0x88, s6;
	s7 =	simm.s32 @p2 $0x1082  }
0x22: {  	[simem:s7], [sflag:s8] =	dma.local @!p0 [hbm:s6], $0xF7A  }
0x23: {  	s9 =	sor.u32 $0xD0000000, s2;
	s6 =	simm.s32 $0x108;
	_ =	swait.ge @!p0 [sflag:s8], $0x0  }
0x24: {  	s3 =	sadd.s32 $0x88, s3;
	s6 =	simm.s32 @!p1 $0x1082;
	[sflag:s4] =	ssyncset.s32 $0xFFFFF086  }
0x25: {  	[simem:s6], [sflag:s4] =	dma.local [hbm:s3], $0xF7A  }
0x26: {  	[smem:$0x3FA0] =	sst s1;
	(tag) =	ssettag s2;
	_ =	strace s9  }
0x27: {  	s1 =	sld [smem:$0x3FB0]  }
0x28: {  	s2 =	sld [smem:$0x3FB1]  }
0x29: {  	s4 =	sld [smem:$0x3FB3]  }
0x2a: {  	p0 =	seq.s32 s5, $0x0;
	s5 =	sld [smem:$0x3FB4]  }
0x2b: {  	s6 =	sld [smem:$0x3FB5]  }
0x2c: {  	s7 =	sld [smem:$0x3FB6]  }
0x2d: {  	s3 =	simm.s32 $0x108;
	s8 =	sld [smem:$0x3FB7]  }
0x2e: {  	s3 =	simm.s32 @!p0 $0x1082;
	s9 =	sld [smem:$0x3FB8]  }
0x2f: {  	lr =	sadd.s32 s0, s3;
	s0 =	sld [smem:$0x3FAF]  }
0x30: {  	s3 =	sld [smem:$0x3FB2]  }
0x31: {  	[smem:$0x3FBB] =	sst s10  }
0x32: {  	s10 =	sld [smem:$0x3FB9];
	_ =	sdelay $0x3  }
0x33: {  	p0 =	seq.s32 s10, $0x1;
	s10 =	sld [smem:$0x3FBB];
	_ =	sdelay $0x3  }
0x34: {  	[smem:$0x3FBB] =	sst s10  }
0x35: {  	s10 =	sld [smem:$0x3FBA];
	_ =	sdelay $0x3  }
0x36: {  	p1 =	seq.s32 s10, $0x1;
	s10 =	sld [smem:$0x3FBB];
	_ =	sdelay $0x3  }
0x37: {  	[smem:$0x3FBB] =	sst s10  }
0x38: {  	s10 =	sld [smem:$0x3FBC]  }
0x39: {  	_ = 	snop;
	(pc) =	sbr.ind lr, $3  }
0x3a: {  	_ = 	snop  }
0x3b: {  	_ = 	snop  }
0x3c: {  	p2 =	seq.s32 s10, $0x1;
	s10 =	sld [smem:$0x3FBB]  }
0x3d: {  	_ =	shalt  }
0x3e: {  	_ =	shalt  }
0x3f: {  	_ =	shalt  }
0x40: {  	_ =	shalt  }
0x41: {  	_ =	shalt  }
0x42: {  	_ =	shalt  }
0x43: {  	_ =	shalt  }
0x44: {  	_ =	shalt  }
0x45: {  	_ =	shalt  }
0x46: {  	_ =	shalt  }
0x47: {  	_ =	shalt  }
0x48: {  	_ =	shalt  }
0x49: {  	_ =	shalt  }
0x4a: {  	_ =	shalt  }
0x4b: {  	_ =	shalt  }
0x4c: {  	_ =	shalt  }
0x4d: {  	_ =	shalt  }
0x4e: {  	_ =	shalt  }
0x4f: {  	_ =	shalt  }
0x50: {  	_ =	shalt  }
0x51: {  	_ =	shalt  }
0x52: {  	_ =	shalt  }
0x53: {  	_ =	shalt  }
0x54: {  	_ =	shalt  }
0x55: {  	_ =	shalt  }
0x56: {  	_ =	shalt  }
0x57: {  	_ =	shalt  }
0x58: {  	_ =	shalt  }
0x59: {  	_ =	shalt  }
0x5a: {  	_ =	shalt  }
0x5b: {  	_ =	shalt  }
0x5c: {  	_ =	shalt  }
0x5d: {  	_ =	shalt  }
0x5e: {  	_ =	shalt  }
0x5f: {  	_ =	shalt  }
0x60: {  	_ =	shalt  }
0x61: {  	_ =	shalt  }
0x62: {  	_ =	shalt  }
0x63: {  	_ =	shalt  }
0x64: {  	_ =	shalt  }
0x65: {  	_ =	shalt  }
0x66: {  	_ =	shalt  }
0x67: {  	_ =	shalt  }
0x68: {  	_ =	shalt  }
0x69: {  	_ =	shalt  }
0x6a: {  	_ =	shalt  }
0x6b: {  	_ =	shalt  }
0x6c: {  	_ =	shalt  }
0x6d: {  	_ =	shalt  }
0x6e: {  	_ =	shalt  }
0x6f: {  	_ =	shalt  }
0x70: {  	_ =	shalt  }
0x71: {  	_ =	shalt  }
0x72: {  	_ =	shalt  }
0x73: {  	_ =	shalt  }
0x74: {  	_ =	shalt  }
0x75: {  	_ =	shalt  }
0x76: {  	_ =	shalt  }
0x77: {  	_ =	shalt  }
0x78: {  	_ =	shalt  }
0x79: {  	_ =	shalt  }
0x7a: {  	_ =	shalt  }
0x7b: {  	_ =	shalt  }
0x7c: {  	_ =	shalt  }
0x7d: {  	_ =	shalt  }
0x7e: {  	_ =	shalt  }
0x7f: {  	_ =	shalt  }
0x80: {  	_ =	shalt  }
0x81: {  	_ =	shalt  }
0x82: {  	_ =	shalt  }
0x83: {  	_ =	shalt  }
0x84: {  	_ =	shalt  }
0x85: {  	_ =	shalt  }
0x86: {  	_ =	shalt  }
0x87: {  	_ =	shalt  }
.Lfunc_end0:
.L_simem_size_0:
called_computation_lowered:
.L_overlay_start_0:
0x88: {  	s2 =	sld [smem:$0x3FD9]  }
0x89: {  	s3 =	sld [smem:$0x3FFE];
	_ =	sdelay $0x1  }
0x8a: {  	s1 =	srdreg.scid  }
0x8b: {  	s0 =	sand.u32 $0x1, s1  }
0x8c: {  	s18 =	sshll.u32 s0, $0xA;
	s2 =	sadd.s32 s3, s2  }
0x8d: {  	s2 =	sadd.s32 s2, s18  }
0x8e: {  	[smem:$0x3FC7] =	sst s2  }
0x8f: {  	_ = 	snop  }
0x90: {  	s2 =	sld [smem:$0x3FC9]  }
0x91: {  	s19 =	sld [smem:$0x3FD0];
	(tm) =	ssettm $0x1  }
0x92: {  	s4 =	sld [smem:$0x3FFB];
	_ =	sdelay $0x3  }
0x93: {  	_ =	strace s4  }
0x94: {  	s4 =	sld [smem:$0x3FFC];
	_ =	sdelay $0x3  }
0x95: {  	_ =	strace s4  }
0x96: {  	s4 =	sld [smem:$0x3FFD];
	_ =	sdelay $0x3  }
0x97: {  	_ =	strace s4  }
0x98: {  	_ =	strace $0x8FFFFFFF  }
0x99: {  	s20 =	sld [smem:$0x3FDB];
	_ =	sdelay $0x1  }
0x9a: {  	s5 =	simm.s32 $_scs_section_size  }
0x9b: {  	s6 =	simm.s32 $_size__tile_overlayer_lowered;
	s7 =	simm.s32 $_tile_overlayer_lowered  }
0x9c: {  	s23 =	simm.s32 $0x1BFF;
	s22 =	sshll.u32 s7, $0x1;
	s4 =	sadd.s32 s5, s20  }
0x9d: {  	s8 =	simm.s32 $0x0;
	s21 =	sshll.u32 s6, $0x1;
	s6 =	sadd.s32 s22, s4  }
0x9e: {  	[timem:s8], [sflag:s23] =	dma.local [hbm:s6], s21  }
0x9f: {  	_ =	swait.ge [sflag:s23], s21  }
0xa0: {  	s5 =	ssub.s32 $0x0, s21;
	[sflag:s23] =	ssyncset.done $0x0  }
0xa1: {  	[sflag:s23] =	ssyncadd.s32 s5;
	_ =	sdelay $0x1  }
0xa2: {  	s24 =	simm.s32 $0x1B8B  }
0xa3: {  	_ =	swait.ge [sflag:s24], $0x1  }
0xa4: {  	[sflag:s24] =	ssyncset.done $0x0  }
0xa5: {  	s25 =	simm.s32 $0x1B8E;
	[sflag:s24] =	ssyncadd.s32 $0xFFFFFFFF  }
0xa6: {  	s26 =	simm.s32 $execute0_lowered;
	[smem:$0x3FD2] =	sst s25  }
0xa7: {  	s5 =	sshll.u32 s26, $0x1;
	_ =	strace $0x80000046;
	[dreg:$0x1] =	wrdreg $0xFFFFFFFF  }
0xa8: {  	s28 =	simm.s32 $_size_execute0_lowered;
	s4 =	sadd.s32 s4, s5;
	[dreg:$0x0] =	wrdreg $0x0  }
0xa9: {  	s5 =	sshll.u32 s28, $0x1;
	[dreg:$0x2] =	wrdreg s4  }
0xaa: {  	[dreg:$0x3] =	wrdreg s5  }
0xab: {  	[dreg:$0x4] =	wrdreg $0xC0  }
0xac: {  	_ =	task [dreg:s8], $0x5FFFF  }
0xad: {  	[dreg:$0x1] =	wrdreg $0xFFFFFFFF  }
0xae: {  	[dreg:$0x0] =	wrdreg $0x60  }
0xaf: {  	[dreg:$0x2] =	wrdreg s2  }
0xb0: {  	[dreg:$0x3] =	wrdreg s19  }
0xb1: {  	[dreg:$0x4] =	wrdreg $0x9  }
0xb2: {  	_ =	task.clear_ibuf [dreg:s8], $0x5FFFF;
	_ =	strace $0x90000046  }
0xb3: {  	s29 =	simm.s32 $0x9;
	_ =	strace $0x80000048  }
0xb4: {  	_ =	swait.ge [sflag:s29], $0x1  }
0xb5: {  	[sflag:s29] =	ssyncadd.s32 $0xFFFFFFFF  }
0xb6: {  	_ =	strace $0x90000048  }
0xb7: {  	_ =	sfence  }
0xb8: {  	s30 =	sld [smem:$0x0];
	_ =	sdelay $0x2  }
0xb9: {  	s31 =	sshll.u32 s1, $0xD;
	s1 =	sshrl.u32 s1, $0x2  }
0xba: {  	s3 =	sand.u32 $0x4000, s31;
	s1 =	sadd.s32 s1, s30  }
0xbb: {  	s0 =	sor.u32 s3, s0;
	s1 =	sshll.u32 s1, $0x11  }
0xbc: {  	s0 =	sor.u32 s1, s0  }
0xbd: {  	s0 =	sadd.s32 $0x8F2B, s0  }
0xbe: {  	[sflag:s0] =	ssyncadd.remote.s32 $0x1  }
0xbf: {  	_ =	sfence.sel $0xFFFF  }
0xc0: {  	[dreg:$0x0] =	wrdreg $0xFFFFFFFF;
	(pc) =	sbr.abs _section_cstart, $3  }
0xc1: {  	[dreg:$0x1] =	wrdreg $0xFFFFFFFF  }
0xc2: {  	_ =	task.clear_ibuf [dreg:s8], $0x2FFFF;
	_ =	strace $0x9FFFFFFF  }
0xc3: {  	(tm) =	ssettm $0x7FFFFFFF  }
tec
execute0_lowered:
.L_overlay_start_1:
0x0: {  	(tag) =	ssettag $0x1  }
0x1: {  	v0 =	vimm.s32 $0xEFCDAB89;
	v1 =	vimm.s32 $0x67452301  }
0x2: {  	v2 =	vimm.s32 $0xDCFE98BA;
	v3 =	vimm.s32 $0x54761032;
	v4 =	vimm.s32 $0xBA98FEDC  }
0x3: {  	s6 =	rddreg [dreg:$0x0];
	v5 =	vimm.s32 $0xFEDCBA98;
	v6 =	vimm.s32 $0x32107654;
	v7 =	vimm.s32 $0x76543210  }
0x4: {  	s1 =	rddreg [dreg:$0x1];
	vm0 =	vcmask $0x300;
	v0 =	vunpack.c.l.s4.s8 v0;
	v1 =	vunpack.c.l.s4.s8 v1  }
0x5: {  	s3 =	srdreg.scid;
	s2 =	stileid.u32;
	s10 =	simm.s32 $0x10000;
	v2 =	vunpack.c.l.s4.s8 v2;
	v3 =	vunpack.c.l.s4.s8 v3;
	v5 =	vunpack.c.l.s4.s8 v5  }
0x6: {  	s11 =	simm.s32 $0x14000;
	s12 =	simm.s32 $0x1;
	s13 =	simm.s32 $0x2;
	v4 =	vunpack.c.l.s4.s8 v4;
	v6 =	vunpack.c.l.s4.s8 v6;
	v7 =	vunpack.c.l.s4.s8 v7  }
0x7: {  	s14 =	simm.s32 $0x0;
	s4 =	sand.u32 $0x1, s3;
	s3 =	simm.s32 $0x0;
	v0 =	vunpack.c.0.s8.s32 v0;
	v1 =	vunpack.c.0.s8.s32 v1;
	v2 =	vunpack.c.0.s8.s32 v2  }
0x8: {  	s5 =	sshll.u32 s2, $0x6;
	s7 =	sshll.u32 s4, $0x5;
	[smem:$0x7FF] =	sst s3;
	v3 =	vunpack.c.0.s8.s32 v3;
	v4 =	vunpack.c.0.s8.s32 v4;
	v6 =	vunpack.c.0.s8.s32 v6  }
0x9: {  	s8 =	ssub.s32 $0x2, s4;
	s4 =	sor.u32 s7, s5;
	v5 =	vunpack.c.0.s8.s32 v5;
	_ =	strace $0x80000047;
	v7 =	vunpack.c.0.s8.s32 v7;
	v0 =	vcombine.low v1, v0  }
0xa: {  	s31 =	sshrl.u32 s8, $0x1;
	s7 =	sshll.u32 s4, $0xB;
	s9 =	sshll.u32 s4, $0x8;
	v1 =	vcombine.low v3, v2;
	v2 =	vcombine.low v6, v4;
	v6 =	vlaneseq.u32  }
0xb: {  	s8 =	ssub.s32 s8, s31;
	s5 =	sadd.s32 s1, s7;
	v3 =	vand.u32 $0xF, v5;
	s6 =	sadd.s32 s6, s9;
	v4 =	vimm.s32 $0x0;
	v6 =	vmul.u32 $0x8, v6  }
0xc: {  	s8 =	smax.u32 s8, $0x1;
	s9 =	simm.s32 $0x3;
	v5 =	vimm.f32 $0.0e+00;
	s7 =	sadd.s32 $0x800, s5;
	v3 =	vcombine.low v3, v7;
	v4 =	vsel vm0, $0x7, v4  }
.LBB2_1:
0xd: {  	[tilespmem:s3], [sflag:$0x3] =	stream.linear.gather [hbm4b:s6+s3], $0x10000, $0x38;
	[tilespmem:$0x18000] =	vst v63  }
0xe: {  	s15 =	simm.s32 $0x10040  }
0xf: {  	[tilespmem:s15+$0x30] =	vst v5  }
0x10: {  	[tilespmem:s15+$0xFFFFFFF0] =	vst v5  }
0x11: {  	[tilespmem:s15+$0xFFFFFFC0] =	vst v5  }
0x12: {  	[tilespmem:s15+$0xFFFFFFE0] =	vst v5  }
0x13: {  	[tilespmem:s15+$0x10] =	vst v5  }
0x14: {  	[tilespmem:s15+$0x20] =	vst v5  }
0x15: {  	[tilespmem:s15+$0x0] =	vst v5  }
0x16: {  	s16 =	simm.s32 $0x14040;
	[tilespmem:s15+$0xFFFFFFD0] =	vst v5  }
0x17: {  	[tilespmem:s16+$0xFFFFFFC0] =	vst v5  }
0x18: {  	[tilespmem:s16+$0x30] =	vst v5  }
0x19: {  	[tilespmem:s16+$0x20] =	vst v5  }
0x1a: {  	[tilespmem:s16+$0x10] =	vst v5  }
0x1b: {  	[tilespmem:s16+$0xFFFFFFE0] =	vst v5  }
0x1c: {  	[tilespmem:s16+$0x0] =	vst v5  }
0x1d: {  	s17 =	simm.s32 $0x0;
	[tilespmem:s16+$0xFFFFFFF0] =	vst v5  }
.LBB2_2:
0x1e: {  	s17 =	sadd.s32 $0x8, s17;
	[tilespmem:s16+$0xFFFFFFD0] =	vst v5;
	s15 =	sadd.s32 $0x80, s15;
	s16 =	sadd.s32 $0x80, s16  }
0x1f: {  	[tilespmem:s15+$0x30] =	vst v5;
	p0 =	slt.u32 s17, $0x3F8  }
0x20: {  	[tilespmem:s15+$0xFFFFFFF0] =	vst v5  }
0x21: {  	[tilespmem:s15+$0xFFFFFFC0] =	vst v5  }
0x22: {  	[tilespmem:s16+$0xFFFFFFC0] =	vst v5  }
0x23: {  	[tilespmem:s16+$0x30] =	vst v5  }
0x24: {  	[tilespmem:s15+$0xFFFFFFE0] =	vst v5  }
0x25: {  	[tilespmem:s15+$0x10] =	vst v5  }
0x26: {  	[tilespmem:s15+$0x20] =	vst v5  }
0x27: {  	[tilespmem:s16+$0x20] =	vst v5  }
0x28: {  	[tilespmem:s16+$0x10] =	vst v5  }
.Ltmp0:
0x29: {  	[tilespmem:s16+$0xFFFFFFE0] =	vst v5;
	(pc) =	sbr.rel @p0 .LBB2_2-.Ltmp0, $4  }
0x2a: {  	[tilespmem:s15+$0x0] =	vst v5  }
0x2b: {  	[tilespmem:s16+$0x0] =	vst v5  }
0x2c: {  	[tilespmem:s16+$0xFFFFFFF0] =	vst v5  }
0x2d: {  	[tilespmem:s15+$0xFFFFFFD0] =	vst v5  }
0x2e: {  	[tilespmem:s16+$0xFFFFFFD0] =	vst v5  }
0x2f: {  	_ =	swait.ge [sflag:s9], $0x10000  }
0x30: {  	[sflag:s9] =	ssyncset.done $0x0  }
0x31: {  	s31 =	simm.s32 $0x40;
	[sflag:s9] =	ssyncadd.s32 $0xFFFF0000  }
0x32: {  	v9 =	vld [tilespmem:s31+$0xFFFFFFC0]  }
0x33: {  	v10 =	vld [tilespmem:s31+$0xFFFFFFD0]  }
0x34: {  	v11 =	vld [tilespmem:s31+$0xFFFFFFE0]  }
0x35: {  	v7 =	vld [tilespmem:s31+$0xFFFFFFF0]  }
0x36: {  	v12 =	vimm.f32 $-Inf;
	v8 =	vld [tilespmem:s31+$0x0]  }
0x37: {  	v12 =	vmax.f32 v12, v9;
	v9 =	vld [tilespmem:s31+$0x10]  }
0x38: {  	v12 =	vmax.f32 v12, v10;
	v10 =	vld [tilespmem:s31+$0x20]  }
0x39: {  	s15 =	simm.s32 $0x0;
	s16 =	simm.s32 $0x440;
	v12 =	vmax.f32 v12, v11;
	v11 =	vld [tilespmem:s31+$0x30]  }
.LBB2_4:
0x3a: {  	v13 =	vld [tilespmem:s16+$0xFFFFFFC0];
	s15 =	sadd.s32 $0x8, s15;
	v7 =	vmax.f32 v12, v7  }
0x3b: {  	v12 =	vld [tilespmem:s16+$0xFFFFFFD0];
	p0 =	slt.u32 s15, $0x78;
	v7 =	vmax.f32 v7, v8  }
0x3c: {  	v14 =	vld [tilespmem:s16+$0xFFFFFFE0];
	v8 =	vmax.f32 v7, v9  }
.Ltmp1:
0x3d: {  	v7 =	vld [tilespmem:s16+$0xFFFFFFF0];
	v9 =	vmax.f32 v8, v10;
	(pc) =	sbr.rel @p0 .LBB2_4-.Ltmp1, $4  }
0x3e: {  	v8 =	vld [tilespmem:s16+$0x0];
	v9 =	vmax.f32 v9, v11  }
0x3f: {  	v10 =	vmax.f32 v9, v13;
	v9 =	vld [tilespmem:s16+$0x10]  }
0x40: {  	v11 =	vmax.f32 v10, v12;
	v10 =	vld [tilespmem:s16+$0x20]  }
0x41: {  	v12 =	vmax.f32 v11, v14;
	v11 =	vld [tilespmem:s16+$0x30];
	s16 =	sadd.s32 $0x400, s16  }
0x42: {  	v7 =	vmax.f32 v12, v7  }
0x43: {  	v7 =	vmax.f32 v7, v8  }
0x44: {  	v7 =	vmax.f32 v7, v9  }
0x45: {  	v7 =	vmax.f32 v7, v10  }
0x46: {  	v7 =	vmax.f32 v7, v11  }
0x47: {  	v8 =	vperm.xlane v7, v0;
	_ =	sdelay $0x1  }
0x48: {  	v7 =	vmax.f32 v7, v8  }
0x49: {  	v8 =	vperm.xlane v7, v1;
	_ =	sdelay $0x1  }
0x4a: {  	v7 =	vmax.f32 v7, v8  }
0x4b: {  	s15 =	simm.s32 $0x40;
	v8 =	vperm.xlane v7, v2  }
0x4c: {  	v9 =	vld [tilespmem:s15+$0xFFFFFFC0]  }
0x4d: {  	v7 =	vmax.f32 v7, v8  }
0x4e: {  	v10 =	vld [tilespmem:s15+$0xFFFFFFD0];
	v8 =	vperm.xlane v7, v3;
	_ =	sdelay $0x1  }
0x4f: {  	v7 =	vmax.f32 v7, v8;
	v8 =	vld [tilespmem:s15+$0xFFFFFFE0]  }
0x50: {  	v9 =	vsub.f32 v9, v7  }
0x51: {  	v11 =	vld [tilespmem:s15+$0xFFFFFFF0]  }
0x52: {  	v10 =	vsub.f32 v10, v7;
	v9 =	vmul.f32 $1.442695020e+00, v9;
	_ =	sdelay $0x1  }
0x53: {  	v12 =	vld [tilespmem:s15+$0x0];
	v10 =	vmul.f32 $1.442695020e+00, v10;
	v8 =	vsub.f32 v8, v7;
	(erf) = vpow2.f32 v9;
	_ =	sdelay $0x1  }
0x54: {  	v11 =	vsub.f32 v11, v7;
	v9 =	vld [tilespmem:s15+$0x10];
	(erf) = vpow2.f32 v10;
	v8 =	vmul.f32 $1.442695020e+00, v8  }
0x55: {  	v13 =	vld [tilespmem:s15+$0x20]  }
0x56: {  	v11 =	vmul.f32 $1.442695020e+00, v11;
	(erf) = vpow2.f32 v8  }
0x57: {  	v10 =	vsub.f32 v12, v7  }
0x58: {  	(erf) = vpow2.f32 v11;
	v11 =	vld [tilespmem:s15+$0x30]  }
0x59: {  	s16 =	simm.s32 $0x440;
	v8 =	vsub.f32 v9, v7;
	v9 =	vmul.f32 $1.442695020e+00, v10  }
0x5a: {  	v12 =	vld [tilespmem:s16+$0xFFFFFFC0];
	v10 =	vsub.f32 v13, v7  }
0x5b: {  	v14 =	vld [tilespmem:s16+$0xFFFFFFD0];
	v8 =	vmul.f32 $1.442695020e+00, v8;
	(erf) = vpow2.f32 v9;
	v9 =	vimm.f32 $0.0e+00;
	v13 =	vpop (erf)  }
0x5c: {  	v9 =	vadd.f32 v13, v9  }
0x5d: {  	v10 =	vmul.f32 $1.442695020e+00, v10;
	(erf) = vpow2.f32 v8;
	v8 =	vld [tilespmem:s16+$0xFFFFFFE0];
	v13 =	vpop (erf);
	v11 =	vsub.f32 v11, v7  }
0x5e: {  	v9 =	vadd.f32 v13, v9  }
0x5f: {  	v12 =	vsub.f32 v12, v7;
	(erf) = vpow2.f32 v10;
	v10 =	vld [tilespmem:s16+$0xFFFFFFF0];
	v11 =	vmul.f32 $1.442695020e+00, v11;
	v13 =	vpop (erf)  }
0x60: {  	v9 =	vadd.f32 v13, v9;
	v13 =	vsub.f32 v14, v7  }
0x61: {  	v15 =	vld [tilespmem:s16+$0x0];
	v12 =	vmul.f32 $1.442695020e+00, v12;
	v14 =	vpop (erf);
	(erf) = vpow2.f32 v11  }
0x62: {  	v8 =	vsub.f32 v8, v7;
	v11 =	vmul.f32 $1.442695020e+00, v13  }
0x63: {  	v16 =	vld [tilespmem:s16+$0x10];
	(erf) = vpow2.f32 v12;
	v9 =	vadd.f32 v14, v9  }
0x64: {  	v13 =	vsub.f32 v10, v7;
	v10 =	vpop (erf);
	v14 =	vmul.f32 $1.442695020e+00, v8  }
0x65: {  	v8 =	vld [tilespmem:s16+$0x20];
	v17 =	vadd.f32 v10, v9;
	(erf) = vpow2.f32 v11  }
0x66: {  	v10 =	vsub.f32 v15, v7;
	v11 =	vpop (erf)  }
0x67: {  	v12 =	vmul.f32 $1.442695020e+00, v13;
	v9 =	vld [tilespmem:s16+$0x30];
	(erf) = vpow2.f32 v14;
	v13 =	vadd.f32 v11, v17  }
0x68: {  	s15 =	simm.s32 $0x8;
	s16 =	simm.s32 $0x840;
	v11 =	vsub.f32 v16, v7;
	v14 =	vpop (erf)  }
.LBB2_6:
0x69: {  	v15 =	vld [tilespmem:s16+$0xFFFFFFC0];
	v10 =	vmul.f32 $1.442695020e+00, v10;
	(erf) = vpow2.f32 v12;
	v16 =	vadd.f32 v14, v13  }
0x6a: {  	s15 =	sadd.s32 $0x8, s15;
	v8 =	vsub.f32 v8, v7;
	v13 =	vpop (erf)  }
0x6b: {  	p0 =	slt.u32 s15, $0x78;
	v11 =	vmul.f32 $1.442695020e+00, v11;
	v14 =	vld [tilespmem:s16+$0xFFFFFFD0];
	(erf) = vpow2.f32 v10;
	v10 =	vadd.f32 v13, v16  }
0x6c: {  	v9 =	vsub.f32 v9, v7;
	v12 =	vpop (erf)  }
0x6d: {  	v8 =	vmul.f32 $1.442695020e+00, v8;
	v13 =	vld [tilespmem:s16+$0xFFFFFFE0];
	v10 =	vadd.f32 v12, v10;
	(erf) = vpow2.f32 v11  }
0x6e: {  	v11 =	vsub.f32 v15, v7;
	v12 =	vpop (erf)  }
0x6f: {  	v9 =	vmul.f32 $1.442695020e+00, v9;
	v15 =	vld [tilespmem:s16+$0xFFFFFFF0];
	v10 =	vadd.f32 v12, v10;
	(erf) = vpow2.f32 v8  }
0x70: {  	v8 =	vsub.f32 v14, v7;
	v12 =	vpop (erf)  }
0x71: {  	v11 =	vmul.f32 $1.442695020e+00, v11;
	v14 =	vld [tilespmem:s16+$0x0];
	v10 =	vadd.f32 v12, v10;
	(erf) = vpow2.f32 v9  }
0x72: {  	v9 =	vsub.f32 v13, v7;
	v12 =	vpop (erf)  }
0x73: {  	v13 =	vmul.f32 $1.442695020e+00, v8;
	v16 =	vld [tilespmem:s16+$0x10];
	(erf) = vpow2.f32 v11;
	v10 =	vadd.f32 v12, v10  }
.Ltmp2:
0x74: {  	v11 =	vsub.f32 v15, v7;
	v12 =	vpop (erf);
	(pc) =	sbr.rel @p0 .LBB2_6-.Ltmp2, $4  }
0x75: {  	v15 =	vmul.f32 $1.442695020e+00, v9;
	v8 =	vld [tilespmem:s16+$0x20];
	(erf) = vpow2.f32 v13;
	v13 =	vadd.f32 v12, v10  }
0x76: {  	v10 =	vsub.f32 v14, v7;
	v14 =	vpop (erf)  }
0x77: {  	v12 =	vmul.f32 $1.442695020e+00, v11;
	v9 =	vld [tilespmem:s16+$0x30];
	(erf) = vpow2.f32 v15;
	v13 =	vadd.f32 v14, v13  }
0x78: {  	s16 =	sadd.s32 $0x400, s16;
	v11 =	vsub.f32 v16, v7;
	v14 =	vpop (erf)  }
0x79: {  	(erf) = vpow2.f32 v12;
	v12 =	vadd.f32 v14, v13  }
0x7a: {  	v10 =	vmul.f32 $1.442695020e+00, v10  }
0x7b: {  	v8 =	vsub.f32 v8, v7;
	v13 =	vpop (erf);
	v11 =	vmul.f32 $1.442695020e+00, v11  }
0x7c: {  	(erf) = vpow2.f32 v10;
	v10 =	vadd.f32 v13, v12  }
0x7d: {  	v9 =	vsub.f32 v9, v7;
	v8 =	vmul.f32 $1.442695020e+00, v8;
	v12 =	vpop (erf)  }
0x7e: {  	(erf) = vpow2.f32 v11;
	v10 =	vadd.f32 v12, v10  }
0x7f: {  	v11 =	vpop (erf);
	v9 =	vmul.f32 $1.442695020e+00, v9  }
0x80: {  	(erf) = vpow2.f32 v8;
	v10 =	vadd.f32 v11, v10  }
0x81: {  	v8 =	vpop (erf)  }
0x82: {  	(erf) = vpow2.f32 v9;
	v8 =	vadd.f32 v8, v10  }
0x83: {  	v9 =	vpop (erf)  }
0x84: {  	v8 =	vadd.f32 v9, v8  }
0x85: {  	v9 =	vpop (erf)  }
0x86: {  	v8 =	vadd.f32 v9, v8  }
0x87: {  	v9 =	vpop (erf)  }
0x88: {  	v8 =	vadd.f32 v9, v8  }
0x89: {  	v9 =	vpop (erf)  }
0x8a: {  	v8 =	vadd.f32 v9, v8  }
0x8b: {  	v9 =	vpop (erf)  }
0x8c: {  	v8 =	vadd.f32 v9, v8;
	_ =	sdelay $0x1  }
0x8d: {  	v9 =	vperm.xlane v8, v0;
	_ =	sdelay $0x1  }
0x8e: {  	v8 =	vadd.f32 v9, v8;
	_ =	sdelay $0x1  }
0x8f: {  	s23 =	simm.s32 $0x440;
	v9 =	vperm.xlane v8, v1  }
0x90: {  	v22 =	vld [tilespmem:s23+$0xFFFFFFD0]  }
0x91: {  	v24 =	vld [tilespmem:s23+$0xFFFFFFE0];
	v8 =	vadd.f32 v9, v8  }
0x92: {  	s15 =	simm.s32 $0x40;
	v30 =	vld [tilespmem:s23+$0x10]  }
0x93: {  	v11 =	vld [tilespmem:s15+$0xFFFFFFD0];
	v9 =	vperm.xlane v8, v2  }
0x94: {  	v14 =	vld [tilespmem:s15+$0x0]  }
0x95: {  	s21 =	simm.s32 $0x280;
	v10 =	vld [tilespmem:s15+$0x30];
	v8 =	vadd.f32 v9, v8  }
0x96: {  	v18 =	vmov s21;
	v9 =	vld [tilespmem:s15+$0xFFFFFFE0]  }
0x97: {  	s24 =	simm.s32 $0x400;
	v12 =	vld [tilespmem:s15+$0xFFFFFFF0];
	v22 =	vsub.f32 v22, v7;
	v24 =	vsub.f32 v24, v7;
	v13 =	vperm.xlane v8, v3  }
0x98: {  	v16 =	vld [tilespmem:s15+$0xFFFFFFC0];
	v61 =	vmov s24;
	v30 =	vsub.f32 v30, v7;
	v11 =	vsub.f32 v11, v7  }
0x99: {  	v15 =	vld [tilespmem:s15+$0x10];
	v22 =	vmul.f32 $1.442695020e+00, v22;
	v24 =	vmul.f32 $1.442695020e+00, v24;
	v8 =	vadd.f32 v13, v8  }
0x9a: {  	v30 =	vmul.f32 $1.442695020e+00, v30;
	v10 =	vsub.f32 v10, v7;
	v11 =	vmul.f32 $1.442695020e+00, v11;
	v13 =	vld [tilespmem:s15+$0x20];
	s15 =	simm.s32 $0x780  }
0x9b: {  	v9 =	vsub.f32 v9, v7;
	v59 =	vmov s15;
	(erf) = vrcp.f32 v8  }
0x9c: {  	s17 =	simm.s32 $0x100;
	v8 =	vmul.f32 $1.442695020e+00, v10;
	v10 =	vsub.f32 v12, v7;
	v12 =	vsub.f32 v14, v7  }
0x9d: {  	v14 =	vsub.f32 v16, v7;
	v16 =	vmov s17;
	v9 =	vmul.f32 $1.442695020e+00, v9  }
0x9e: {  	s16 =	simm.s32 $0x80;
	(erf) = vpow2.f32 v8;
	v8 =	vmul.f32 $1.442695020e+00, v10;
	v10 =	vsub.f32 v15, v7  }
0x9f: {  	s18 =	simm.s32 $0x380;
	v12 =	vmul.f32 $1.442695020e+00, v12;
	v15 =	vmov s16;
	(erf) = vpow2.f32 v11  }
0xa0: {  	v11 =	vsub.f32 v13, v7;
	v13 =	vmov s18;
	v15 =	vshrl.u32 v15, $0x7  }
0xa1: {  	s19 =	simm.s32 $0x0;
	s18 =	simm.s32 $0x180;
	v10 =	vmul.f32 $1.442695020e+00, v10;
	v13 =	vshrl.u32 v13, $0x7;
	(erf) = vpow2.f32 v9  }
0xa2: {  	v9 =	vmul.f32 $1.442695020e+00, v14;
	v14 =	vmov s19;
	v17 =	vmov s18  }
0xa3: {  	v15 =	vshll.u32 v15, v4;
	v11 =	vmul.f32 $1.442695020e+00, v11;
	(erf) = vpow2.f32 v8  }
0xa4: {  	s20 =	simm.s32 $0x200;
	v13 =	vshll.u32 v13, v4;
	v15 =	vbroadcast v15, $0x0;
	(erf) = vpow2.f32 v9  }
0xa5: {  	s22 =	simm.s32 $0x300;
	v13 =	vbroadcast v13, $0x0;
	v9 =	vmov s20;
	(erf) = vpow2.f32 v12  }
0xa6: {  	v12 =	vshrl.u32 v14, $0x7;
	v14 =	vmov s22;
	v8 =	vpop (erf);
	(erf) = vpow2.f32 v10  }
0xa7: {  	v12 =	vshll.u32 v12, v4;
	v10 =	vpop (erf);
	(erf) = vpow2.f32 v11;
	v11 =	vshrl.u32 v17, $0x7;
	v17 =	vld [tilespmem:s23+$0x30]  }
0xa8: {  	v9 =	vshrl.u32 v9, $0x7;
	v15 =	vor.u32 v6, v15;
	v12 =	vbroadcast v12, $0x0  }
0xa9: {  	v13 =	vor.u32 v6, v13;
	v14 =	vshrl.u32 v14, $0x7;
	v9 =	vshll.u32 v9, v4  }
0xaa: {  	v14 =	vshll.u32 v14, v4;
	v26 =	vbroadcast v9, $0x0;
	v25 =	vor.u32 v6, v12  }
0xab: {  	v19 =	vmul.f32 v10, v8;
	v10 =	vshrl.u32 v16, $0x7;
	v16 =	vshrl.u32 v18, $0x7  }
0xac: {  	v11 =	vshll.u32 v11, v4;
	v16 =	vshll.u32 v16, v4;
	v9 =	vsub.f32 v17, v7  }
0xad: {  	v26 =	vor.u32 v6, v26;
	v18 =	vpop (erf);
	v23 =	vbroadcast v11, $0x0;
	v12 =	vbroadcast v16, $0x0;
	v16 =	vld [tilespmem:s23+$0xFFFFFFF0]  }
0xae: {  	s25 =	simm.s32 $0x480;
	v58 =	vld [tilespmem:s23+$0xFFFFFFC0];
	v10 =	vshll.u32 v10, v4;
	v20 =	vpop (erf);
	v18 =	vmul.f32 v18, v8;
	v31 =	vmul.f32 $1.442695020e+00, v9  }
0xaf: {  	s28 =	simm.s32 $0x580;
	v21 =	vpop (erf);
	v10 =	vbroadcast v10, $0x0;
	v20 =	vmul.f32 v20, v8;
	[tilespmem:v13+s10+$0x0] =	vst.idx.msk $0xffff, v19;
	v13 =	vmov s25;
	v17 =	vld [tilespmem:s23+$0x0]  }
0xb0: {  	v19 =	vmov s28;
	v11 =	vpop (erf);
	v21 =	vmul.f32 v21, v8;
	(erf) = vpow2.f32 v31  }
0xb1: {  	s29 =	simm.s32 $0x600;
	v23 =	vor.u32 v6, v23;
	v27 =	vmul.f32 v11, v8;
	v11 =	vbroadcast v14, $0x0;
	v14 =	vpop (erf)  }
0xb2: {  	v32 =	vld [tilespmem:s23+$0x20];
	[tilespmem:v15+s10+$0x0] =	vst.idx.msk $0xffff, v18;
	v15 =	vmov s29;
	v29 =	vor.u32 v6, v10;
	v28 =	vpop (erf);
	v16 =	vsub.f32 v16, v7  }
0xb3: {  	v14 =	vmul.f32 v14, v8;
	v10 =	vmul.f32 v28, v8;
	v28 =	vsub.f32 v58, v7  }
0xb4: {  	v31 =	vshrl.u32 v59, $0x7;
	v17 =	vsub.f32 v17, v7;
	v16 =	vmul.f32 $1.442695020e+00, v16  }
0xb5: {  	s30 =	simm.s32 $0x680;
	(erf) = vpow2.f32 v22;
	v31 =	vshll.u32 v31, v4;
	v60 =	vmul.f32 $1.442695020e+00, v28  }
0xb6: {  	v18 =	vmov s30;
	(erf) = vpow2.f32 v24;
	v31 =	vbroadcast v31, $0x0  }
0xb7: {  	v9 =	vpop (erf);
	v22 =	vsub.f32 v32, v7;
	v17 =	vmul.f32 $1.442695020e+00, v17;
	(erf) = vpow2.f32 v16  }
0xb8: {  	v15 =	vshrl.u32 v15, $0x7;
	v9 =	vmul.f32 v9, v8;
	(erf) = vpow2.f32 v60  }
0xb9: {  	v22 =	vmul.f32 $1.442695020e+00, v22;
	v62 =	vor.u32 v6, v31;
	(erf) = vpow2.f32 v17;
	v63 =	vpop (erf)  }
0xba: {  	s26 =	simm.s32 $0x500;
	s31 =	simm.s32 $0x700;
	[tilespmem:v23+s10+$0x0] =	vst.idx.msk $0xffff, v21;
	v21 =	vshrl.u32 v13, $0x7;
	(erf) = vpow2.f32 v30;
	v13 =	vmul.f32 v63, v8  }
0xbb: {  	[tilespmem:v29+s10+$0x0] =	vst.idx.msk $0xffff, v20;
	v20 =	vmov s31;
	v16 =	vmov s26;
	(erf) = vpow2.f32 v22  }
0xbc: {  	[tilespmem:v26+s10+$0x0] =	vst.idx.msk $0xffff, v14;
	v21 =	vshll.u32 v21, v4;
	v23 =	vshrl.u32 v20, $0x7;
	v14 =	vshrl.u32 v16, $0x7  }
0xbd: {  	[tilespmem:v25+s10+$0x0] =	vst.idx.msk $0xffff, v27;
	v16 =	vshrl.u32 v19, $0x7;
	v17 =	vshrl.u32 v61, $0x7;
	v20 =	vshll.u32 v14, v4  }
0xbe: {  	v19 =	vshll.u32 v17, v4;
	v17 =	vshll.u32 v15, v4;
	v22 =	vshrl.u32 v18, $0x7;
	[tilespmem:v62+s10+$0x0] =	vst.idx.msk $0xffff, v13;
	v13 =	vpop (erf)  }
0xbf: {  	s17 =	simm.s32 $0x840;
	s16 =	simm.s32 $0x8;
	v15 =	vshll.u32 v23, v4;
	v18 =	vshll.u32 v16, v4;
	v16 =	vshll.u32 v22, v4;
	v14 =	vpop (erf)  }
.LBB2_8:
0xc0: {  	v22 =	vld [tilespmem:s17+$0x30];
	s16 =	sadd.s32 $0x8, s16;
	v19 =	vbroadcast v19, $0x0;
	v21 =	vbroadcast v21, $0x0;
	v23 =	vpop (erf);
	v24 =	vor.u32 v6, v12  }
0xc1: {  	v20 =	vbroadcast v20, $0x0;
	v18 =	vbroadcast v18, $0x0;
	v27 =	vor.u32 v6, v11;
	v25 =	vld [tilespmem:s17+$0xFFFFFFD0];
	p0 =	slt.u32 s16, $0x78;
	v26 =	vpop (erf)  }
0xc2: {  	v17 =	vbroadcast v17, $0x0;
	v12 =	vbroadcast v16, $0x0;
	v28 =	vld [tilespmem:s17+$0xFFFFFFE0];
	v19 =	vor.u32 v6, v19;
	v16 =	vpop (erf)  }
0xc3: {  	v11 =	vbroadcast v15, $0x0;
	v26 =	vmul.f32 v26, v8;
	v21 =	vor.u32 v6, v21;
	v29 =	vld [tilespmem:s17+$0xFFFFFFF0];
	v15 =	vpop (erf)  }
0xc4: {  	v13 =	vmul.f32 v13, v8;
	v14 =	vmul.f32 v14, v8;
	v20 =	vor.u32 v6, v20;
	v30 =	vld [tilespmem:s17+$0x0];
	v31 =	vpop (erf)  }
0xc5: {  	v23 =	vmul.f32 v23, v8;
	v16 =	vmul.f32 v16, v8;
	v32 =	vld [tilespmem:s17+$0x10];
	v22 =	vsub.f32 v22, v7  }
0xc6: {  	v15 =	vmul.f32 v15, v8;
	v31 =	vmul.f32 v31, v8;
	v25 =	vsub.f32 v25, v7;
	v33 =	vld [tilespmem:s17+$0x20]  }
0xc7: {  	v18 =	vor.u32 v6, v18;
	v34 =	vld [tilespmem:s17+$0xFFFFFFC0];
	v28 =	vsub.f32 v28, v7;
	v22 =	vmul.f32 $1.442695020e+00, v22;
	[tilespmem:v19+s10+$0x0] =	vst.idx.msk $0xffff, v26  }
0xc8: {  	v19 =	vmul.f32 $1.442695020e+00, v25;
	v25 =	vsub.f32 v29, v7;
	[tilespmem:v21+s10+$0x0] =	vst.idx.msk $0xffff, v13;
	v13 =	vor.u32 v6, v17  }
0xc9: {  	v17 =	vmul.f32 $1.442695020e+00, v28;
	v21 =	vsub.f32 v30, v7;
	(erf) = vpow2.f32 v22;
	[tilespmem:v20+s10+$0x0] =	vst.idx.msk $0xffff, v14  }
0xca: {  	s15 =	sadd.s32 $0x400, s15;
	v14 =	vmul.f32 $1.442695020e+00, v25;
	v20 =	vsub.f32 v32, v7;
	(erf) = vpow2.f32 v19;
	[tilespmem:v24+s10+$0x0] =	vst.idx.msk $0xffff, v10;
	v10 =	vmovc v15  }
0xcb: {  	s18 =	sadd.s32 $0xFFFFFC80, s15;
	s19 =	sadd.s32 $0xFFFFFD00, s15;
	s20 =	sadd.s32 $0xFFFFFD80, s15;
	v15 =	vmul.f32 $1.442695020e+00, v21;
	v19 =	vsub.f32 v33, v7;
	v21 =	vmov s15;
	[tilespmem:v27+s10+$0x0] =	vst.idx.msk $0xffff, v9;
	v9 =	vmovc v31  }
0xcc: {  	s21 =	sadd.s32 $0xFFFFFE00, s15;
	s22 =	sadd.s32 $0xFFFFFE80, s15;
	s23 =	sadd.s32 $0xFFFFFF00, s15;
	v22 =	vsub.f32 v34, v7;
	v20 =	vmul.f32 $1.442695020e+00, v20;
	v21 =	vshrl.u32 v21, $0x7;
	[tilespmem:v18+s10+$0x0] =	vst.idx.msk $0xffff, v23  }
0xcd: {  	s24 =	sadd.s32 $0xFFFFFF80, s15;
	v18 =	vmul.f32 $1.442695020e+00, v19;
	v19 =	vshll.u32 v21, v4;
	(erf) = vpow2.f32 v17;
	[tilespmem:v13+s10+$0x0] =	vst.idx.msk $0xffff, v16  }
0xce: {  	v16 =	vmov s18;
	v13 =	vmul.f32 $1.442695020e+00, v22;
	v17 =	vbroadcast v19, $0x0  }
0xcf: {  	v21 =	vmov s20;
	v19 =	vmov s19;
	(erf) = vpow2.f32 v14  }
0xd0: {  	v14 =	vmov s21;
	v17 =	vor.u32 v6, v17;
	(erf) = vpow2.f32 v13  }
0xd1: {  	v23 =	vmov s23;
	v22 =	vmov s22;
	(erf) = vpow2.f32 v15  }
0xd2: {  	v15 =	vshrl.u32 v16, $0x7;
	v16 =	vmov s24;
	(erf) = vpow2.f32 v20;
	v13 =	vpop (erf)  }
.Ltmp3:
0xd3: {  	v20 =	vshrl.u32 v19, $0x7;
	v24 =	vmul.f32 v13, v8;
	v13 =	vpop (erf);
	(erf) = vpow2.f32 v18;
	(pc) =	sbr.rel @p0 .LBB2_8-.Ltmp3, $4  }
0xd4: {  	v22 =	vshrl.u32 v22, $0x7;
	v25 =	vshrl.u32 v14, $0x7;
	v18 =	vshrl.u32 v21, $0x7  }
0xd5: {  	v19 =	vshll.u32 v15, v4;
	v15 =	vshrl.u32 v23, $0x7;
	v23 =	vshrl.u32 v16, $0x7;
	[tilespmem:v17+s10+$0x0] =	vst.idx.msk $0xffff, v24  }
0xd6: {  	v21 =	vshll.u32 v20, v4;
	v20 =	vshll.u32 v18, v4;
	v18 =	vshll.u32 v25, v4;
	v14 =	vpop (erf)  }
0xd7: {  	s17 =	sadd.s32 $0x400, s17;
	v16 =	vshll.u32 v15, v4;
	v15 =	vshll.u32 v23, v4;
	v17 =	vshll.u32 v22, v4  }
0xd8: {  	v7 =	vbroadcast v19, $0x0  }
0xd9: {  	v60 =	vbroadcast v21, $0x0  }
0xda: {  	v20 =	vbroadcast v20, $0x0;
	v7 =	vor.u32 v6, v7  }
0xdb: {  	v61 =	vpop (erf);
	v19 =	vor.u32 v6, v60  }
0xdc: {  	v22 =	vpop (erf);
	v20 =	vor.u32 v6, v20  }
0xdd: {  	v12 =	vor.u32 v6, v12;
	v18 =	vbroadcast v18, $0x0;
	v22 =	vmul.f32 v22, v8  }
0xde: {  	v11 =	vor.u32 v6, v11;
	v17 =	vbroadcast v17, $0x0;
	v13 =	vmul.f32 v13, v8  }
0xdf: {  	v16 =	vbroadcast v16, $0x0;
	v14 =	vmul.f32 v14, v8;
	[tilespmem:v7+s10+$0x0] =	vst.idx.msk $0xffff, v22;
	v7 =	vor.u32 v6, v18  }
0xe0: {  	v15 =	vbroadcast v15, $0x0;
	[tilespmem:v19+s10+$0x0] =	vst.idx.msk $0xffff, v13;
	v13 =	vor.u32 v6, v17  }
0xe1: {  	[tilespmem:v20+s10+$0x0] =	vst.idx.msk $0xffff, v14;
	v14 =	vor.u32 v6, v16  }
0xe2: {  	v63 =	vmul.f32 v61, v8;
	v62 =	vpop (erf);
	[tilespmem:v12+s10+$0x0] =	vst.idx.msk $0xffff, v10;
	v10 =	vor.u32 v6, v15  }
0xe3: {  	v12 =	vpop (erf);
	v15 =	vmul.f32 v62, v8;
	[tilespmem:v11+s10+$0x0] =	vst.idx.msk $0xffff, v9  }
0xe4: {  	v9 =	vpop (erf);
	v11 =	vmul.f32 v12, v8;
	[tilespmem:v7+s10+$0x0] =	vst.idx.msk $0xffff, v63  }
0xe5: {  	v7 =	vmul.f32 v9, v8;
	[tilespmem:v13+s10+$0x0] =	vst.idx.msk $0xffff, v15  }
0xe6: {  	[tilespmem:v14+s10+$0x0] =	vst.idx.msk $0xffff, v11  }
0xe7: {  	s16 =	simm.s32 $0xF0;
	[tilespmem:v10+s10+$0x0] =	vst.idx.msk $0xffff, v7  }
0xe8: {  	[hbm4b:s5+s3] =	stream.linear.scatter [tilespmem:s10], [sflag:$0x1], $0x4000, $0x38;
	[tilespmem:$0x18000] =	vst v63  }
0xe9: {  	v9 =	vld [tilespmem:s16+$0xFFFFFF90]  }
0xea: {  	v10 =	vld [tilespmem:s16+$0xFFFFFFA0]  }
0xeb: {  	v11 =	vld [tilespmem:s16+$0xFFFFFFB0]  }
0xec: {  	v7 =	vld [tilespmem:s16+$0xFFFFFFC0]  }
0xed: {  	v12 =	vimm.f32 $-Inf;
	v8 =	vld [tilespmem:s16+$0xFFFFFFD0]  }
0xee: {  	v12 =	vmax.f32 v12, v9;
	v9 =	vld [tilespmem:s16+$0xFFFFFFE0]  }
0xef: {  	v12 =	vmax.f32 v12, v10;
	v10 =	vld [tilespmem:s16+$0xFFFFFFF0]  }
0xf0: {  	s15 =	simm.s32 $0x0;
	v12 =	vmax.f32 v12, v11;
	v11 =	vld [tilespmem:s16+$0x0];
	s16 =	simm.s32 $0x4F0  }
.LBB2_10:
0xf1: {  	v13 =	vld [tilespmem:s16+$0xFFFFFF90];
	s15 =	sadd.s32 $0x8, s15;
	v7 =	vmax.f32 v12, v7  }
0xf2: {  	v12 =	vld [tilespmem:s16+$0xFFFFFFA0];
	p0 =	slt.u32 s15, $0x78;
	v7 =	vmax.f32 v7, v8  }
0xf3: {  	v14 =	vld [tilespmem:s16+$0xFFFFFFB0];
	v8 =	vmax.f32 v7, v9  }
.Ltmp4:
0xf4: {  	v7 =	vld [tilespmem:s16+$0xFFFFFFC0];
	v9 =	vmax.f32 v8, v10;
	(pc) =	sbr.rel @p0 .LBB2_10-.Ltmp4, $4  }
0xf5: {  	v8 =	vld [tilespmem:s16+$0xFFFFFFD0];
	v9 =	vmax.f32 v9, v11  }
0xf6: {  	v10 =	vmax.f32 v9, v13;
	v9 =	vld [tilespmem:s16+$0xFFFFFFE0]  }
0xf7: {  	v11 =	vmax.f32 v10, v12;
	v10 =	vld [tilespmem:s16+$0xFFFFFFF0]  }
0xf8: {  	v12 =	vmax.f32 v11, v14;
	v11 =	vld [tilespmem:s16+$0x0];
	s16 =	sadd.s32 $0x400, s16  }
0xf9: {  	v7 =	vmax.f32 v12, v7  }
0xfa: {  	v7 =	vmax.f32 v7, v8  }
0xfb: {  	v7 =	vmax.f32 v7, v9  }
0xfc: {  	v7 =	vmax.f32 v7, v10  }
0xfd: {  	v7 =	vmax.f32 v7, v11  }
0xfe: {  	v8 =	vperm.xlane v7, v0;
	_ =	sdelay $0x1  }
0xff: {  	v7 =	vmax.f32 v7, v8  }
0x100: {  	v8 =	vperm.xlane v7, v1;
	_ =	sdelay $0x1  }
0x101: {  	v7 =	vmax.f32 v7, v8  }
0x102: {  	s15 =	simm.s32 $0xF0;
	v8 =	vperm.xlane v7, v2  }
0x103: {  	v9 =	vld [tilespmem:s15+$0xFFFFFF90]  }
0x104: {  	v7 =	vmax.f32 v7, v8  }
0x105: {  	v10 =	vld [tilespmem:s15+$0xFFFFFFA0];
	v8 =	vperm.xlane v7, v3;
	_ =	sdelay $0x1  }
0x106: {  	v7 =	vmax.f32 v7, v8;
	v8 =	vld [tilespmem:s15+$0xFFFFFFB0]  }
0x107: {  	v9 =	vsub.f32 v9, v7  }
0x108: {  	v11 =	vld [tilespmem:s15+$0xFFFFFFC0]  }
0x109: {  	v10 =	vsub.f32 v10, v7;
	v9 =	vmul.f32 $1.442695020e+00, v9;
	_ =	sdelay $0x1  }
0x10a: {  	v12 =	vld [tilespmem:s15+$0xFFFFFFD0];
	v10 =	vmul.f32 $1.442695020e+00, v10;
	v8 =	vsub.f32 v8, v7;
	(erf) = vpow2.f32 v9;
	_ =	sdelay $0x1  }
0x10b: {  	v11 =	vsub.f32 v11, v7;
	v9 =	vld [tilespmem:s15+$0xFFFFFFE0];
	(erf) = vpow2.f32 v10;
	v8 =	vmul.f32 $1.442695020e+00, v8  }
0x10c: {  	v13 =	vld [tilespmem:s15+$0xFFFFFFF0]  }
0x10d: {  	v11 =	vmul.f32 $1.442695020e+00, v11;
	(erf) = vpow2.f32 v8  }
0x10e: {  	v10 =	vsub.f32 v12, v7  }
0x10f: {  	(erf) = vpow2.f32 v11;
	v11 =	vld [tilespmem:s15+$0x0]  }
0x110: {  	s16 =	simm.s32 $0x4F0;
	v8 =	vsub.f32 v9, v7;
	v9 =	vmul.f32 $1.442695020e+00, v10  }
0x111: {  	v12 =	vld [tilespmem:s16+$0xFFFFFF90];
	v10 =	vsub.f32 v13, v7  }
0x112: {  	v14 =	vld [tilespmem:s16+$0xFFFFFFA0];
	v8 =	vmul.f32 $1.442695020e+00, v8;
	(erf) = vpow2.f32 v9;
	v9 =	vimm.f32 $0.0e+00;
	v13 =	vpop (erf)  }
0x113: {  	v9 =	vadd.f32 v13, v9  }
0x114: {  	v10 =	vmul.f32 $1.442695020e+00, v10;
	(erf) = vpow2.f32 v8;
	v8 =	vld [tilespmem:s16+$0xFFFFFFB0];
	v13 =	vpop (erf);
	v11 =	vsub.f32 v11, v7  }
0x115: {  	v9 =	vadd.f32 v13, v9  }
0x116: {  	v12 =	vsub.f32 v12, v7;
	(erf) = vpow2.f32 v10;
	v10 =	vld [tilespmem:s16+$0xFFFFFFC0];
	v11 =	vmul.f32 $1.442695020e+00, v11;
	v13 =	vpop (erf)  }
0x117: {  	v9 =	vadd.f32 v13, v9;
	v13 =	vsub.f32 v14, v7  }
0x118: {  	v15 =	vld [tilespmem:s16+$0xFFFFFFD0];
	v12 =	vmul.f32 $1.442695020e+00, v12;
	v14 =	vpop (erf);
	(erf) = vpow2.f32 v11  }
0x119: {  	v8 =	vsub.f32 v8, v7;
	v11 =	vmul.f32 $1.442695020e+00, v13  }
0x11a: {  	v16 =	vld [tilespmem:s16+$0xFFFFFFE0];
	(erf) = vpow2.f32 v12;
	v9 =	vadd.f32 v14, v9  }
0x11b: {  	v13 =	vsub.f32 v10, v7;
	v10 =	vpop (erf);
	v14 =	vmul.f32 $1.442695020e+00, v8  }
0x11c: {  	v8 =	vld [tilespmem:s16+$0xFFFFFFF0];
	v17 =	vadd.f32 v10, v9;
	(erf) = vpow2.f32 v11  }
0x11d: {  	v10 =	vsub.f32 v15, v7;
	v11 =	vpop (erf)  }
0x11e: {  	v12 =	vmul.f32 $1.442695020e+00, v13;
	v9 =	vld [tilespmem:s16+$0x0];
	(erf) = vpow2.f32 v14;
	v13 =	vadd.f32 v11, v17  }
0x11f: {  	s15 =	simm.s32 $0x8;
	s16 =	simm.s32 $0x8F0;
	v11 =	vsub.f32 v16, v7;
	v14 =	vpop (erf)  }
.LBB2_12:
0x120: {  	v15 =	vld [tilespmem:s16+$0xFFFFFF90];
	v10 =	vmul.f32 $1.442695020e+00, v10;
	(erf) = vpow2.f32 v12;
	v16 =	vadd.f32 v14, v13  }
0x121: {  	s15 =	sadd.s32 $0x8, s15;
	v8 =	vsub.f32 v8, v7;
	v13 =	vpop (erf)  }
0x122: {  	p0 =	slt.u32 s15, $0x78;
	v11 =	vmul.f32 $1.442695020e+00, v11;
	v14 =	vld [tilespmem:s16+$0xFFFFFFA0];
	(erf) = vpow2.f32 v10;
	v10 =	vadd.f32 v13, v16  }
0x123: {  	v9 =	vsub.f32 v9, v7;
	v12 =	vpop (erf)  }
0x124: {  	v8 =	vmul.f32 $1.442695020e+00, v8;
	v13 =	vld [tilespmem:s16+$0xFFFFFFB0];
	v10 =	vadd.f32 v12, v10;
	(erf) = vpow2.f32 v11  }
0x125: {  	v11 =	vsub.f32 v15, v7;
	v12 =	vpop (erf)  }
0x126: {  	v9 =	vmul.f32 $1.442695020e+00, v9;
	v15 =	vld [tilespmem:s16+$0xFFFFFFC0];
	v10 =	vadd.f32 v12, v10;
	(erf) = vpow2.f32 v8  }
0x127: {  	v8 =	vsub.f32 v14, v7;
	v12 =	vpop (erf)  }
0x128: {  	v11 =	vmul.f32 $1.442695020e+00, v11;
	v14 =	vld [tilespmem:s16+$0xFFFFFFD0];
	v10 =	vadd.f32 v12, v10;
	(erf) = vpow2.f32 v9  }
0x129: {  	v9 =	vsub.f32 v13, v7;
	v12 =	vpop (erf)  }
0x12a: {  	v13 =	vmul.f32 $1.442695020e+00, v8;
	v16 =	vld [tilespmem:s16+$0xFFFFFFE0];
	(erf) = vpow2.f32 v11;
	v10 =	vadd.f32 v12, v10  }
.Ltmp5:
0x12b: {  	v11 =	vsub.f32 v15, v7;
	v12 =	vpop (erf);
	(pc) =	sbr.rel @p0 .LBB2_12-.Ltmp5, $4  }
0x12c: {  	v15 =	vmul.f32 $1.442695020e+00, v9;
	v8 =	vld [tilespmem:s16+$0xFFFFFFF0];
	(erf) = vpow2.f32 v13;
	v13 =	vadd.f32 v12, v10  }
0x12d: {  	v10 =	vsub.f32 v14, v7;
	v14 =	vpop (erf)  }
0x12e: {  	v12 =	vmul.f32 $1.442695020e+00, v11;
	v9 =	vld [tilespmem:s16+$0x0];
	(erf) = vpow2.f32 v15;
	v13 =	vadd.f32 v14, v13  }
0x12f: {  	s16 =	sadd.s32 $0x400, s16;
	v11 =	vsub.f32 v16, v7;
	v14 =	vpop (erf)  }
0x130: {  	(erf) = vpow2.f32 v12;
	v12 =	vadd.f32 v14, v13  }
0x131: {  	v10 =	vmul.f32 $1.442695020e+00, v10  }
0x132: {  	v8 =	vsub.f32 v8, v7;
	v13 =	vpop (erf);
	v11 =	vmul.f32 $1.442695020e+00, v11  }
0x133: {  	(erf) = vpow2.f32 v10;
	v10 =	vadd.f32 v13, v12  }
0x134: {  	v9 =	vsub.f32 v9, v7;
	v8 =	vmul.f32 $1.442695020e+00, v8;
	v12 =	vpop (erf)  }
0x135: {  	(erf) = vpow2.f32 v11;
	v10 =	vadd.f32 v12, v10  }
0x136: {  	v11 =	vpop (erf);
	v9 =	vmul.f32 $1.442695020e+00, v9  }
0x137: {  	(erf) = vpow2.f32 v8;
	v10 =	vadd.f32 v11, v10  }
0x138: {  	v8 =	vpop (erf)  }
0x139: {  	(erf) = vpow2.f32 v9;
	v8 =	vadd.f32 v8, v10  }
0x13a: {  	v9 =	vpop (erf)  }
0x13b: {  	v8 =	vadd.f32 v9, v8  }
0x13c: {  	v9 =	vpop (erf)  }
0x13d: {  	v8 =	vadd.f32 v9, v8  }
0x13e: {  	v9 =	vpop (erf)  }
0x13f: {  	v8 =	vadd.f32 v9, v8  }
0x140: {  	v9 =	vpop (erf)  }
0x141: {  	v8 =	vadd.f32 v9, v8  }
0x142: {  	v9 =	vpop (erf)  }
0x143: {  	v8 =	vadd.f32 v9, v8;
	_ =	sdelay $0x1  }
0x144: {  	v9 =	vperm.xlane v8, v0;
	_ =	sdelay $0x1  }
0x145: {  	v8 =	vadd.f32 v9, v8;
	_ =	sdelay $0x1  }
0x146: {  	s23 =	simm.s32 $0x4F0;
	v9 =	vperm.xlane v8, v1  }
0x147: {  	v22 =	vld [tilespmem:s23+$0xFFFFFFA0]  }
0x148: {  	v24 =	vld [tilespmem:s23+$0xFFFFFFB0];
	v8 =	vadd.f32 v9, v8  }
0x149: {  	s15 =	simm.s32 $0xF0;
	v30 =	vld [tilespmem:s23+$0xFFFFFFE0]  }
0x14a: {  	v11 =	vld [tilespmem:s15+$0xFFFFFFA0];
	v9 =	vperm.xlane v8, v2  }
0x14b: {  	v14 =	vld [tilespmem:s15+$0xFFFFFFD0]  }
0x14c: {  	s21 =	simm.s32 $0x280;
	v10 =	vld [tilespmem:s15+$0x0];
	v8 =	vadd.f32 v9, v8  }
0x14d: {  	v18 =	vmov s21;
	v9 =	vld [tilespmem:s15+$0xFFFFFFB0]  }
0x14e: {  	s24 =	simm.s32 $0x400;
	v12 =	vld [tilespmem:s15+$0xFFFFFFC0];
	v22 =	vsub.f32 v22, v7;
	v24 =	vsub.f32 v24, v7;
	v13 =	vperm.xlane v8, v3  }
0x14f: {  	v16 =	vld [tilespmem:s15+$0xFFFFFF90];
	v61 =	vmov s24;
	v30 =	vsub.f32 v30, v7;
	v11 =	vsub.f32 v11, v7  }
0x150: {  	v15 =	vld [tilespmem:s15+$0xFFFFFFE0];
	v22 =	vmul.f32 $1.442695020e+00, v22;
	v24 =	vmul.f32 $1.442695020e+00, v24;
	v8 =	vadd.f32 v13, v8  }
0x151: {  	v30 =	vmul.f32 $1.442695020e+00, v30;
	v10 =	vsub.f32 v10, v7;
	v11 =	vmul.f32 $1.442695020e+00, v11;
	v13 =	vld [tilespmem:s15+$0xFFFFFFF0];
	s15 =	simm.s32 $0x780  }
0x152: {  	v9 =	vsub.f32 v9, v7;
	v59 =	vmov s15;
	(erf) = vrcp.f32 v8  }
0x153: {  	s17 =	simm.s32 $0x100;
	v8 =	vmul.f32 $1.442695020e+00, v10;
	v10 =	vsub.f32 v12, v7;
	v12 =	vsub.f32 v14, v7  }
0x154: {  	v14 =	vsub.f32 v16, v7;
	v16 =	vmov s17;
	v9 =	vmul.f32 $1.442695020e+00, v9  }
0x155: {  	s16 =	simm.s32 $0x80;
	(erf) = vpow2.f32 v8;
	v8 =	vmul.f32 $1.442695020e+00, v10;
	v10 =	vsub.f32 v15, v7  }
0x156: {  	s18 =	simm.s32 $0x380;
	v12 =	vmul.f32 $1.442695020e+00, v12;
	v15 =	vmov s16;
	(erf) = vpow2.f32 v11  }
0x157: {  	v11 =	vsub.f32 v13, v7;
	v13 =	vmov s18;
	v15 =	vshrl.u32 v15, $0x7  }
0x158: {  	s19 =	simm.s32 $0x0;
	s18 =	simm.s32 $0x180;
	v10 =	vmul.f32 $1.442695020e+00, v10;
	v13 =	vshrl.u32 v13, $0x7;
	(erf) = vpow2.f32 v9  }
0x159: {  	v9 =	vmul.f32 $1.442695020e+00, v14;
	v14 =	vmov s19;
	v17 =	vmov s18  }
0x15a: {  	v15 =	vshll.u32 v15, v4;
	v11 =	vmul.f32 $1.442695020e+00, v11;
	(erf) = vpow2.f32 v8  }
0x15b: {  	s20 =	simm.s32 $0x200;
	v13 =	vshll.u32 v13, v4;
	v15 =	vbroadcast v15, $0x0;
	(erf) = vpow2.f32 v9  }
0x15c: {  	s22 =	simm.s32 $0x300;
	v13 =	vbroadcast v13, $0x0;
	v9 =	vmov s20;
	(erf) = vpow2.f32 v12  }
0x15d: {  	v12 =	vshrl.u32 v14, $0x7;
	v14 =	vmov s22;
	v8 =	vpop (erf);
	(erf) = vpow2.f32 v10  }
0x15e: {  	v12 =	vshll.u32 v12, v4;
	v10 =	vpop (erf);
	(erf) = vpow2.f32 v11;
	v11 =	vshrl.u32 v17, $0x7;
	v17 =	vld [tilespmem:s23+$0x0]  }
0x15f: {  	v9 =	vshrl.u32 v9, $0x7;
	v15 =	vor.u32 v6, v15;
	v12 =	vbroadcast v12, $0x0  }
0x160: {  	v13 =	vor.u32 v6, v13;
	v14 =	vshrl.u32 v14, $0x7;
	v9 =	vshll.u32 v9, v4  }
0x161: {  	v14 =	vshll.u32 v14, v4;
	v26 =	vbroadcast v9, $0x0;
	v25 =	vor.u32 v6, v12  }
0x162: {  	v19 =	vmul.f32 v10, v8;
	v10 =	vshrl.u32 v16, $0x7;
	v16 =	vshrl.u32 v18, $0x7  }
0x163: {  	v11 =	vshll.u32 v11, v4;
	v16 =	vshll.u32 v16, v4;
	v9 =	vsub.f32 v17, v7  }
0x164: {  	v26 =	vor.u32 v6, v26;
	v18 =	vpop (erf);
	v23 =	vbroadcast v11, $0x0;
	v12 =	vbroadcast v16, $0x0;
	v16 =	vld [tilespmem:s23+$0xFFFFFFC0]  }
0x165: {  	s25 =	simm.s32 $0x480;
	v58 =	vld [tilespmem:s23+$0xFFFFFF90];
	v10 =	vshll.u32 v10, v4;
	v20 =	vpop (erf);
	v18 =	vmul.f32 v18, v8;
	v31 =	vmul.f32 $1.442695020e+00, v9  }
0x166: {  	s28 =	simm.s32 $0x580;
	v21 =	vpop (erf);
	v10 =	vbroadcast v10, $0x0;
	v20 =	vmul.f32 v20, v8;
	[tilespmem:v13+s11+$0x0] =	vst.idx.msk $0xffff, v19;
	v13 =	vmov s25;
	v17 =	vld [tilespmem:s23+$0xFFFFFFD0]  }
0x167: {  	v19 =	vmov s28;
	v11 =	vpop (erf);
	v21 =	vmul.f32 v21, v8;
	(erf) = vpow2.f32 v31  }
0x168: {  	s29 =	simm.s32 $0x600;
	v23 =	vor.u32 v6, v23;
	v27 =	vmul.f32 v11, v8;
	v11 =	vbroadcast v14, $0x0;
	v14 =	vpop (erf)  }
0x169: {  	v32 =	vld [tilespmem:s23+$0xFFFFFFF0];
	[tilespmem:v15+s11+$0x0] =	vst.idx.msk $0xffff, v18;
	v15 =	vmov s29;
	v29 =	vor.u32 v6, v10;
	v28 =	vpop (erf);
	v16 =	vsub.f32 v16, v7  }
0x16a: {  	v14 =	vmul.f32 v14, v8;
	v10 =	vmul.f32 v28, v8;
	v28 =	vsub.f32 v58, v7  }
0x16b: {  	v31 =	vshrl.u32 v59, $0x7;
	v17 =	vsub.f32 v17, v7;
	v16 =	vmul.f32 $1.442695020e+00, v16  }
0x16c: {  	s30 =	simm.s32 $0x680;
	(erf) = vpow2.f32 v22;
	v31 =	vshll.u32 v31, v4;
	v60 =	vmul.f32 $1.442695020e+00, v28  }
0x16d: {  	v18 =	vmov s30;
	(erf) = vpow2.f32 v24;
	v31 =	vbroadcast v31, $0x0  }
0x16e: {  	v9 =	vpop (erf);
	v22 =	vsub.f32 v32, v7;
	v17 =	vmul.f32 $1.442695020e+00, v17;
	(erf) = vpow2.f32 v16  }
0x16f: {  	v15 =	vshrl.u32 v15, $0x7;
	v9 =	vmul.f32 v9, v8;
	(erf) = vpow2.f32 v60  }
0x170: {  	v22 =	vmul.f32 $1.442695020e+00, v22;
	v62 =	vor.u32 v6, v31;
	(erf) = vpow2.f32 v17;
	v63 =	vpop (erf)  }
0x171: {  	s26 =	simm.s32 $0x500;
	s31 =	simm.s32 $0x700;
	[tilespmem:v23+s11+$0x0] =	vst.idx.msk $0xffff, v21;
	v21 =	vshrl.u32 v13, $0x7;
	(erf) = vpow2.f32 v30;
	v13 =	vmul.f32 v63, v8  }
0x172: {  	[tilespmem:v29+s11+$0x0] =	vst.idx.msk $0xffff, v20;
	v20 =	vmov s31;
	v16 =	vmov s26;
	(erf) = vpow2.f32 v22  }
0x173: {  	[tilespmem:v26+s11+$0x0] =	vst.idx.msk $0xffff, v14;
	v21 =	vshll.u32 v21, v4;
	v23 =	vshrl.u32 v20, $0x7;
	v14 =	vshrl.u32 v16, $0x7  }
0x174: {  	[tilespmem:v25+s11+$0x0] =	vst.idx.msk $0xffff, v27;
	v16 =	vshrl.u32 v19, $0x7;
	v17 =	vshrl.u32 v61, $0x7;
	v20 =	vshll.u32 v14, v4  }
0x175: {  	v19 =	vshll.u32 v17, v4;
	v17 =	vshll.u32 v15, v4;
	v22 =	vshrl.u32 v18, $0x7;
	[tilespmem:v62+s11+$0x0] =	vst.idx.msk $0xffff, v13;
	v13 =	vpop (erf)  }
0x176: {  	s17 =	simm.s32 $0x8F0;
	s16 =	simm.s32 $0x8;
	v15 =	vshll.u32 v23, v4;
	v18 =	vshll.u32 v16, v4;
	v16 =	vshll.u32 v22, v4;
	v14 =	vpop (erf)  }
.LBB2_14:
0x177: {  	v22 =	vld [tilespmem:s17+$0x0];
	s16 =	sadd.s32 $0x8, s16;
	v19 =	vbroadcast v19, $0x0;
	v21 =	vbroadcast v21, $0x0;
	v23 =	vpop (erf);
	v24 =	vor.u32 v6, v12  }
0x178: {  	v20 =	vbroadcast v20, $0x0;
	v18 =	vbroadcast v18, $0x0;
	v27 =	vor.u32 v6, v11;
	v25 =	vld [tilespmem:s17+$0xFFFFFFA0];
	p0 =	slt.u32 s16, $0x78;
	v26 =	vpop (erf)  }
0x179: {  	v17 =	vbroadcast v17, $0x0;
	v12 =	vbroadcast v16, $0x0;
	v28 =	vld [tilespmem:s17+$0xFFFFFFB0];
	v19 =	vor.u32 v6, v19;
	v16 =	vpop (erf)  }
0x17a: {  	v11 =	vbroadcast v15, $0x0;
	v26 =	vmul.f32 v26, v8;
	v21 =	vor.u32 v6, v21;
	v29 =	vld [tilespmem:s17+$0xFFFFFFC0];
	v15 =	vpop (erf)  }
0x17b: {  	v13 =	vmul.f32 v13, v8;
	v14 =	vmul.f32 v14, v8;
	v20 =	vor.u32 v6, v20;
	v30 =	vld [tilespmem:s17+$0xFFFFFFD0];
	v31 =	vpop (erf)  }
0x17c: {  	v23 =	vmul.f32 v23, v8;
	v16 =	vmul.f32 v16, v8;
	v32 =	vld [tilespmem:s17+$0xFFFFFFE0];
	v22 =	vsub.f32 v22, v7  }
0x17d: {  	v15 =	vmul.f32 v15, v8;
	v31 =	vmul.f32 v31, v8;
	v25 =	vsub.f32 v25, v7;
	v33 =	vld [tilespmem:s17+$0xFFFFFFF0]  }
0x17e: {  	v18 =	vor.u32 v6, v18;
	v34 =	vld [tilespmem:s17+$0xFFFFFF90];
	v28 =	vsub.f32 v28, v7;
	v22 =	vmul.f32 $1.442695020e+00, v22;
	[tilespmem:v19+s11+$0x0] =	vst.idx.msk $0xffff, v26  }
0x17f: {  	v19 =	vmul.f32 $1.442695020e+00, v25;
	v25 =	vsub.f32 v29, v7;
	[tilespmem:v21+s11+$0x0] =	vst.idx.msk $0xffff, v13;
	v13 =	vor.u32 v6, v17  }
0x180: {  	v17 =	vmul.f32 $1.442695020e+00, v28;
	v21 =	vsub.f32 v30, v7;
	(erf) = vpow2.f32 v22;
	[tilespmem:v20+s11+$0x0] =	vst.idx.msk $0xffff, v14  }
0x181: {  	s15 =	sadd.s32 $0x400, s15;
	v14 =	vmul.f32 $1.442695020e+00, v25;
	v20 =	vsub.f32 v32, v7;
	(erf) = vpow2.f32 v19;
	[tilespmem:v24+s11+$0x0] =	vst.idx.msk $0xffff, v10;
	v10 =	vmovc v15  }
0x182: {  	s18 =	sadd.s32 $0xFFFFFC80, s15;
	s19 =	sadd.s32 $0xFFFFFD00, s15;
	s20 =	sadd.s32 $0xFFFFFD80, s15;
	v15 =	vmul.f32 $1.442695020e+00, v21;
	v19 =	vsub.f32 v33, v7;
	v21 =	vmov s15;
	[tilespmem:v27+s11+$0x0] =	vst.idx.msk $0xffff, v9;
	v9 =	vmovc v31  }
0x183: {  	s21 =	sadd.s32 $0xFFFFFE00, s15;
	s22 =	sadd.s32 $0xFFFFFE80, s15;
	s23 =	sadd.s32 $0xFFFFFF00, s15;
	v22 =	vsub.f32 v34, v7;
	v20 =	vmul.f32 $1.442695020e+00, v20;
	v21 =	vshrl.u32 v21, $0x7;
	[tilespmem:v18+s11+$0x0] =	vst.idx.msk $0xffff, v23  }
0x184: {  	s24 =	sadd.s32 $0xFFFFFF80, s15;
	v18 =	vmul.f32 $1.442695020e+00, v19;
	v19 =	vshll.u32 v21, v4;
	(erf) = vpow2.f32 v17;
	[tilespmem:v13+s11+$0x0] =	vst.idx.msk $0xffff, v16  }
0x185: {  	v16 =	vmov s18;
	v13 =	vmul.f32 $1.442695020e+00, v22;
	v17 =	vbroadcast v19, $0x0  }
0x186: {  	v21 =	vmov s20;
	v19 =	vmov s19;
	(erf) = vpow2.f32 v14  }
0x187: {  	v14 =	vmov s21;
	v17 =	vor.u32 v6, v17;
	(erf) = vpow2.f32 v13  }
0x188: {  	v23 =	vmov s23;
	v22 =	vmov s22;
	(erf) = vpow2.f32 v15  }
0x189: {  	v15 =	vshrl.u32 v16, $0x7;
	v16 =	vmov s24;
	(erf) = vpow2.f32 v20;
	v13 =	vpop (erf)  }
.Ltmp6:
0x18a: {  	v20 =	vshrl.u32 v19, $0x7;
	v24 =	vmul.f32 v13, v8;
	v13 =	vpop (erf);
	(erf) = vpow2.f32 v18;
	(pc) =	sbr.rel @p0 .LBB2_14-.Ltmp6, $4  }
0x18b: {  	v22 =	vshrl.u32 v22, $0x7;
	v25 =	vshrl.u32 v14, $0x7;
	v18 =	vshrl.u32 v21, $0x7  }
0x18c: {  	v19 =	vshll.u32 v15, v4;
	v15 =	vshrl.u32 v23, $0x7;
	v23 =	vshrl.u32 v16, $0x7;
	[tilespmem:v17+s11+$0x0] =	vst.idx.msk $0xffff, v24  }
0x18d: {  	v21 =	vshll.u32 v20, v4;
	v20 =	vshll.u32 v18, v4;
	v18 =	vshll.u32 v25, v4;
	v14 =	vpop (erf)  }
0x18e: {  	s17 =	sadd.s32 $0x400, s17;
	v16 =	vshll.u32 v15, v4;
	v15 =	vshll.u32 v23, v4;
	v17 =	vshll.u32 v22, v4  }
0x18f: {  	v7 =	vbroadcast v19, $0x0  }
0x190: {  	v12 =	vor.u32 v6, v12  }
0x191: {  	v53 =	vbroadcast v21, $0x0;
	v7 =	vor.u32 v6, v7  }
0x192: {  	v20 =	vbroadcast v20, $0x0;
	v54 =	vpop (erf);
	v11 =	vor.u32 v6, v11  }
0x193: {  	v17 =	vbroadcast v17, $0x0;
	v22 =	vpop (erf);
	v19 =	vor.u32 v6, v53  }
0x194: {  	v18 =	vbroadcast v18, $0x0;
	v20 =	vor.u32 v6, v20;
	v22 =	vmul.f32 v22, v8  }
0x195: {  	v16 =	vbroadcast v16, $0x0;
	v55 =	vor.u32 v6, v17;
	[tilespmem:v12+s11+$0x0] =	vst.idx.msk $0xffff, v10  }
0x196: {  	v13 =	vmul.f32 v13, v8;
	v15 =	vbroadcast v15, $0x0;
	[tilespmem:v7+s11+$0x0] =	vst.idx.msk $0xffff, v22;
	v7 =	vor.u32 v6, v18  }
0x197: {  	v14 =	vmul.f32 v14, v8;
	v56 =	vor.u32 v6, v16;
	v57 =	vpop (erf);
	[tilespmem:v11+s11+$0x0] =	vst.idx.msk $0xffff, v9  }
0x198: {  	v59 =	vor.u32 v6, v15;
	v61 =	vmul.f32 v57, v8;
	[tilespmem:v19+s11+$0x0] =	vst.idx.msk $0xffff, v13  }
0x199: {  	v58 =	vmul.f32 v54, v8;
	v60 =	vpop (erf);
	[tilespmem:v20+s11+$0x0] =	vst.idx.msk $0xffff, v14  }
0x19a: {  	v62 =	vpop (erf);
	v63 =	vmul.f32 v60, v8;
	[tilespmem:v55+s11+$0x0] =	vst.idx.msk $0xffff, v61  }
0x19b: {  	[tilespmem:v7+s11+$0x0] =	vst.idx.msk $0xffff, v58;
	v7 =	vmul.f32 v62, v8  }
0x19c: {  	s15 =	simm.s32 $0x0;
	[tilespmem:v56+s11+$0x0] =	vst.idx.msk $0xffff, v63  }
0x19d: {  	s16 =	simm.s32 $0x1000;
	s17 =	simm.s32 $0x1;
	s18 =	simm.s32 $0x2;
	[tilespmem:v59+s11+$0x0] =	vst.idx.msk $0xffff, v7  }
0x19e: {  	[hbm4b:s7+s15] =	stream.linear.scatter [tilespmem:s11], [sflag:$0x2], $0x4000, $0x38;
	[tilespmem:$0x18000] =	vst v63  }
.LBB2_16:
0x19f: {  	s19 =	sshll.u32 s16, $0x2;
	s20 =	sand.u32 $0x3, s17  }
0x1a0: {  	s19 =	sand.u32 $0xFFFF0000, s19;
	s20 =	sshll.u32 s20, $0xA  }
0x1a1: {  	_ =	swait.ge [sflag:s12], $0x4000;
	s20 =	sor.u32 s20, s19  }
0x1a2: {  	[sflag:s12] =	ssyncset.done $0x0;
	s20 =	sshrl.u32 s20, $0x2  }
0x1a3: {  	[sflag:s12] =	ssyncadd.s32 $0xFFFFC000;
	s23 =	sor.u32 $0x40, s20  }
0x1a4: {  	v9 =	vld [tilespmem:s23+$0xFFFFFFC0]  }
0x1a5: {  	v10 =	vld [tilespmem:s23+$0xFFFFFFD0]  }
0x1a6: {  	v11 =	vld [tilespmem:s23+$0xFFFFFFE0]  }
0x1a7: {  	s31 =	sand.u32 $0x7, s18;
	v7 =	vld [tilespmem:s23+$0xFFFFFFF0]  }
0x1a8: {  	v12 =	vimm.f32 $-Inf;
	s20 =	sshll.u32 s31, $0x9;
	v8 =	vld [tilespmem:s23+$0x0]  }
0x1a9: {  	s19 =	sor.u32 s20, s19;
	v12 =	vmax.f32 v12, v9;
	v9 =	vld [tilespmem:s23+$0x10]  }
0x1aa: {  	s22 =	simm.s32 $0x0;
	s20 =	sshll.u32 s15, $0x1;
	s19 =	sshrl.u32 s19, $0x2;
	v12 =	vmax.f32 v12, v10;
	v10 =	vld [tilespmem:s23+$0x20]  }
0x1ab: {  	s24 =	sadd.s32 $0x400, s23;
	s21 =	sadd.s32 $0x2, s20;
	s19 =	sadd.s32 $0xF0, s19;
	v12 =	vmax.f32 v12, v11;
	v11 =	vld [tilespmem:s23+$0x30]  }
.LBB2_17:
0x1ac: {  	v13 =	vld [tilespmem:s24+$0xFFFFFFC0];
	s22 =	sadd.s32 $0x8, s22;
	v7 =	vmax.f32 v12, v7  }
0x1ad: {  	v12 =	vld [tilespmem:s24+$0xFFFFFFD0];
	p0 =	slt.u32 s22, $0x78;
	v7 =	vmax.f32 v7, v8  }
0x1ae: {  	v14 =	vld [tilespmem:s24+$0xFFFFFFE0];
	v8 =	vmax.f32 v7, v9  }
.Ltmp7:
0x1af: {  	v7 =	vld [tilespmem:s24+$0xFFFFFFF0];
	v9 =	vmax.f32 v8, v10;
	(pc) =	sbr.rel @p0 .LBB2_17-.Ltmp7, $4  }
0x1b0: {  	v8 =	vld [tilespmem:s24+$0x0];
	v9 =	vmax.f32 v9, v11  }
0x1b1: {  	v10 =	vmax.f32 v9, v13;
	v9 =	vld [tilespmem:s24+$0x10]  }
0x1b2: {  	v11 =	vmax.f32 v10, v12;
	v10 =	vld [tilespmem:s24+$0x20]  }
0x1b3: {  	v12 =	vmax.f32 v11, v14;
	v11 =	vld [tilespmem:s24+$0x30];
	s24 =	sadd.s32 $0x400, s24  }
0x1b4: {  	v7 =	vmax.f32 v12, v7  }
0x1b5: {  	v7 =	vmax.f32 v7, v8  }
0x1b6: {  	v7 =	vmax.f32 v7, v9  }
0x1b7: {  	v7 =	vmax.f32 v7, v10  }
0x1b8: {  	v7 =	vmax.f32 v7, v11  }
0x1b9: {  	v8 =	vperm.xlane v7, v0;
	_ =	sdelay $0x1  }
0x1ba: {  	v7 =	vmax.f32 v7, v8  }
0x1bb: {  	v8 =	vperm.xlane v7, v1;
	_ =	sdelay $0x1  }
0x1bc: {  	v7 =	vmax.f32 v7, v8  }
0x1bd: {  	v8 =	vperm.xlane v7, v2  }
0x1be: {  	v9 =	vld [tilespmem:s23+$0xFFFFFFC0]  }
0x1bf: {  	v7 =	vmax.f32 v7, v8  }
0x1c0: {  	v10 =	vld [tilespmem:s23+$0xFFFFFFD0];
	v8 =	vperm.xlane v7, v3;
	_ =	sdelay $0x1  }
0x1c1: {  	v7 =	vmax.f32 v7, v8;
	v8 =	vld [tilespmem:s23+$0xFFFFFFE0]  }
0x1c2: {  	v9 =	vsub.f32 v9, v7  }
0x1c3: {  	v11 =	vld [tilespmem:s23+$0xFFFFFFF0]  }
0x1c4: {  	v10 =	vsub.f32 v10, v7;
	v9 =	vmul.f32 $1.442695020e+00, v9;
	_ =	sdelay $0x1  }
0x1c5: {  	v12 =	vld [tilespmem:s23+$0x0];
	v10 =	vmul.f32 $1.442695020e+00, v10;
	v8 =	vsub.f32 v8, v7;
	(erf) = vpow2.f32 v9;
	_ =	sdelay $0x1  }
0x1c6: {  	v11 =	vsub.f32 v11, v7;
	v9 =	vld [tilespmem:s23+$0x10];
	(erf) = vpow2.f32 v10;
	v8 =	vmul.f32 $1.442695020e+00, v8  }
0x1c7: {  	v13 =	vld [tilespmem:s23+$0x20]  }
0x1c8: {  	v11 =	vmul.f32 $1.442695020e+00, v11;
	(erf) = vpow2.f32 v8  }
0x1c9: {  	v10 =	vsub.f32 v12, v7  }
0x1ca: {  	(erf) = vpow2.f32 v11;
	v11 =	vld [tilespmem:s23+$0x30]  }
0x1cb: {  	s22 =	sadd.s32 $0x400, s23;
	v8 =	vsub.f32 v9, v7;
	v9 =	vmul.f32 $1.442695020e+00, v10  }
0x1cc: {  	v12 =	vld [tilespmem:s22+$0xFFFFFFC0];
	v10 =	vsub.f32 v13, v7  }
0x1cd: {  	v14 =	vld [tilespmem:s22+$0xFFFFFFD0];
	v8 =	vmul.f32 $1.442695020e+00, v8;
	(erf) = vpow2.f32 v9;
	v9 =	vimm.f32 $0.0e+00;
	v13 =	vpop (erf)  }
0x1ce: {  	v9 =	vadd.f32 v13, v9  }
0x1cf: {  	v10 =	vmul.f32 $1.442695020e+00, v10;
	(erf) = vpow2.f32 v8;
	v8 =	vld [tilespmem:s22+$0xFFFFFFE0];
	v13 =	vpop (erf);
	v11 =	vsub.f32 v11, v7  }
0x1d0: {  	v9 =	vadd.f32 v13, v9  }
0x1d1: {  	v12 =	vsub.f32 v12, v7;
	(erf) = vpow2.f32 v10;
	v10 =	vld [tilespmem:s22+$0xFFFFFFF0];
	v11 =	vmul.f32 $1.442695020e+00, v11;
	v13 =	vpop (erf)  }
0x1d2: {  	v9 =	vadd.f32 v13, v9;
	v13 =	vsub.f32 v14, v7  }
0x1d3: {  	v15 =	vld [tilespmem:s22+$0x0];
	v12 =	vmul.f32 $1.442695020e+00, v12;
	v14 =	vpop (erf);
	(erf) = vpow2.f32 v11  }
0x1d4: {  	v8 =	vsub.f32 v8, v7;
	v11 =	vmul.f32 $1.442695020e+00, v13  }
0x1d5: {  	v16 =	vld [tilespmem:s22+$0x10];
	(erf) = vpow2.f32 v12;
	v9 =	vadd.f32 v14, v9  }
0x1d6: {  	v13 =	vsub.f32 v10, v7;
	v10 =	vpop (erf);
	v14 =	vmul.f32 $1.442695020e+00, v8  }
0x1d7: {  	v8 =	vld [tilespmem:s22+$0x20];
	v17 =	vadd.f32 v10, v9;
	(erf) = vpow2.f32 v11  }
0x1d8: {  	v10 =	vsub.f32 v15, v7;
	v11 =	vpop (erf)  }
0x1d9: {  	v12 =	vmul.f32 $1.442695020e+00, v13;
	v9 =	vld [tilespmem:s22+$0x30];
	(erf) = vpow2.f32 v14;
	v13 =	vadd.f32 v11, v17  }
0x1da: {  	s24 =	simm.s32 $0x8;
	s25 =	sadd.s32 $0x400, s22;
	v11 =	vsub.f32 v16, v7;
	v14 =	vpop (erf)  }
.LBB2_19:
0x1db: {  	v15 =	vld [tilespmem:s25+$0xFFFFFFC0];
	v10 =	vmul.f32 $1.442695020e+00, v10;
	(erf) = vpow2.f32 v12;
	v16 =	vadd.f32 v14, v13  }
0x1dc: {  	s24 =	sadd.s32 $0x8, s24;
	v8 =	vsub.f32 v8, v7;
	v13 =	vpop (erf)  }
0x1dd: {  	p0 =	slt.u32 s24, $0x78;
	v11 =	vmul.f32 $1.442695020e+00, v11;
	v14 =	vld [tilespmem:s25+$0xFFFFFFD0];
	(erf) = vpow2.f32 v10;
	v10 =	vadd.f32 v13, v16  }
0x1de: {  	v9 =	vsub.f32 v9, v7;
	v12 =	vpop (erf)  }
0x1df: {  	v8 =	vmul.f32 $1.442695020e+00, v8;
	v13 =	vld [tilespmem:s25+$0xFFFFFFE0];
	v10 =	vadd.f32 v12, v10;
	(erf) = vpow2.f32 v11  }
0x1e0: {  	v11 =	vsub.f32 v15, v7;
	v12 =	vpop (erf)  }
0x1e1: {  	v9 =	vmul.f32 $1.442695020e+00, v9;
	v15 =	vld [tilespmem:s25+$0xFFFFFFF0];
	v10 =	vadd.f32 v12, v10;
	(erf) = vpow2.f32 v8  }
0x1e2: {  	v8 =	vsub.f32 v14, v7;
	v12 =	vpop (erf)  }
0x1e3: {  	v11 =	vmul.f32 $1.442695020e+00, v11;
	v14 =	vld [tilespmem:s25+$0x0];
	v10 =	vadd.f32 v12, v10;
	(erf) = vpow2.f32 v9  }
0x1e4: {  	v9 =	vsub.f32 v13, v7;
	v12 =	vpop (erf)  }
0x1e5: {  	v13 =	vmul.f32 $1.442695020e+00, v8;
	v16 =	vld [tilespmem:s25+$0x10];
	(erf) = vpow2.f32 v11;
	v10 =	vadd.f32 v12, v10  }
.Ltmp8:
0x1e6: {  	v11 =	vsub.f32 v15, v7;
	v12 =	vpop (erf);
	(pc) =	sbr.rel @p0 .LBB2_19-.Ltmp8, $4  }
0x1e7: {  	v15 =	vmul.f32 $1.442695020e+00, v9;
	v8 =	vld [tilespmem:s25+$0x20];
	(erf) = vpow2.f32 v13;
	v13 =	vadd.f32 v12, v10  }
0x1e8: {  	v10 =	vsub.f32 v14, v7;
	v14 =	vpop (erf)  }
0x1e9: {  	v12 =	vmul.f32 $1.442695020e+00, v11;
	v9 =	vld [tilespmem:s25+$0x30];
	(erf) = vpow2.f32 v15;
	v13 =	vadd.f32 v14, v13  }
0x1ea: {  	s25 =	sadd.s32 $0x400, s25;
	v11 =	vsub.f32 v16, v7;
	v14 =	vpop (erf)  }
0x1eb: {  	(erf) = vpow2.f32 v12;
	v12 =	vadd.f32 v14, v13  }
0x1ec: {  	v10 =	vmul.f32 $1.442695020e+00, v10  }
0x1ed: {  	v8 =	vsub.f32 v8, v7;
	v13 =	vpop (erf);
	v11 =	vmul.f32 $1.442695020e+00, v11  }
0x1ee: {  	(erf) = vpow2.f32 v10;
	v10 =	vadd.f32 v13, v12  }
0x1ef: {  	v9 =	vsub.f32 v9, v7;
	v8 =	vmul.f32 $1.442695020e+00, v8;
	v12 =	vpop (erf)  }
0x1f0: {  	(erf) = vpow2.f32 v11;
	v10 =	vadd.f32 v12, v10  }
0x1f1: {  	v11 =	vpop (erf);
	v9 =	vmul.f32 $1.442695020e+00, v9  }
0x1f2: {  	(erf) = vpow2.f32 v8;
	v10 =	vadd.f32 v11, v10  }
0x1f3: {  	v8 =	vpop (erf)  }
0x1f4: {  	(erf) = vpow2.f32 v9;
	v8 =	vadd.f32 v8, v10  }
0x1f5: {  	v9 =	vpop (erf)  }
0x1f6: {  	v8 =	vadd.f32 v9, v8  }
0x1f7: {  	v9 =	vpop (erf)  }
0x1f8: {  	v8 =	vadd.f32 v9, v8  }
0x1f9: {  	v9 =	vpop (erf)  }
0x1fa: {  	v8 =	vadd.f32 v9, v8  }
0x1fb: {  	v9 =	vpop (erf)  }
0x1fc: {  	v8 =	vadd.f32 v9, v8  }
0x1fd: {  	v9 =	vpop (erf)  }
0x1fe: {  	v8 =	vadd.f32 v9, v8;
	_ =	sdelay $0x1  }
0x1ff: {  	v9 =	vperm.xlane v8, v0;
	_ =	sdelay $0x1  }
0x200: {  	v8 =	vadd.f32 v9, v8;
	_ =	sdelay $0x1  }
0x201: {  	v14 =	vld [tilespmem:s23+$0x0];
	v9 =	vperm.xlane v8, v1  }
0x202: {  	v22 =	vld [tilespmem:s22+$0xFFFFFFD0]  }
0x203: {  	v24 =	vld [tilespmem:s22+$0xFFFFFFE0];
	v8 =	vadd.f32 v9, v8  }
0x204: {  	v30 =	vld [tilespmem:s22+$0x10]  }
0x205: {  	v11 =	vld [tilespmem:s23+$0xFFFFFFD0];
	v9 =	vperm.xlane v8, v2  }
0x206: {  	s26 =	simm.s32 $0x180;
	v10 =	vld [tilespmem:s23+$0x30]  }
0x207: {  	s28 =	simm.s32 $0x280;
	v17 =	vmov s26;
	v8 =	vadd.f32 v9, v8;
	v9 =	vld [tilespmem:s23+$0xFFFFFFE0]  }
0x208: {  	s30 =	simm.s32 $0x400;
	v18 =	vmov s28;
	v12 =	vld [tilespmem:s23+$0xFFFFFFF0];
	v22 =	vsub.f32 v22, v7;
	v24 =	vsub.f32 v24, v7  }
0x209: {  	v16 =	vld [tilespmem:s23+$0xFFFFFFC0];
	v61 =	vmov s30;
	v30 =	vsub.f32 v30, v7;
	v13 =	vperm.xlane v8, v3  }
0x20a: {  	v15 =	vld [tilespmem:s23+$0x10];
	v22 =	vmul.f32 $1.442695020e+00, v22;
	v24 =	vmul.f32 $1.442695020e+00, v24;
	v11 =	vsub.f32 v11, v7  }
0x20b: {  	v30 =	vmul.f32 $1.442695020e+00, v30;
	v10 =	vsub.f32 v10, v7;
	v8 =	vadd.f32 v13, v8;
	v13 =	vld [tilespmem:s23+$0x20];
	s23 =	simm.s32 $0x780  }
0x20c: {  	v11 =	vmul.f32 $1.442695020e+00, v11;
	v9 =	vsub.f32 v9, v7;
	v59 =	vmov s23  }
0x20d: {  	(erf) = vrcp.f32 v8;
	v8 =	vmul.f32 $1.442695020e+00, v10;
	v10 =	vsub.f32 v12, v7  }
0x20e: {  	s25 =	simm.s32 $0x100;
	v12 =	vsub.f32 v14, v7;
	v14 =	vsub.f32 v16, v7;
	v9 =	vmul.f32 $1.442695020e+00, v9  }
0x20f: {  	s24 =	simm.s32 $0x80;
	v16 =	vmov s25;
	(erf) = vpow2.f32 v8;
	v8 =	vmul.f32 $1.442695020e+00, v10  }
0x210: {  	s31 =	simm.s32 $0x380;
	v10 =	vsub.f32 v15, v7;
	v12 =	vmul.f32 $1.442695020e+00, v12;
	v15 =	vmov s24  }
0x211: {  	(erf) = vpow2.f32 v11;
	v11 =	vsub.f32 v13, v7;
	v13 =	vmov s31  }
0x212: {  	s0 =	simm.s32 $0x0;
	v15 =	vshrl.u32 v15, $0x7;
	v10 =	vmul.f32 $1.442695020e+00, v10;
	v13 =	vshrl.u32 v13, $0x7  }
0x213: {  	(erf) = vpow2.f32 v9;
	v9 =	vmul.f32 $1.442695020e+00, v14;
	v14 =	vmov s0  }
0x214: {  	v15 =	vshll.u32 v15, v4;
	v11 =	vmul.f32 $1.442695020e+00, v11;
	(erf) = vpow2.f32 v8  }
0x215: {  	s24 =	simm.s32 $0x200;
	v13 =	vshll.u32 v13, v4;
	v15 =	vbroadcast v15, $0x0;
	(erf) = vpow2.f32 v9  }
0x216: {  	s29 =	simm.s32 $0x300;
	v13 =	vbroadcast v13, $0x0;
	v9 =	vmov s24;
	(erf) = vpow2.f32 v12  }
0x217: {  	v12 =	vshrl.u32 v14, $0x7;
	v14 =	vmov s29;
	v8 =	vpop (erf);
	(erf) = vpow2.f32 v10  }
0x218: {  	v12 =	vshll.u32 v12, v4;
	v10 =	vpop (erf);
	(erf) = vpow2.f32 v11;
	v11 =	vshrl.u32 v17, $0x7;
	v17 =	vld [tilespmem:s22+$0x30]  }
0x219: {  	v9 =	vshrl.u32 v9, $0x7;
	v15 =	vor.u32 v6, v15;
	v12 =	vbroadcast v12, $0x0  }
0x21a: {  	v13 =	vor.u32 v6, v13;
	v14 =	vshrl.u32 v14, $0x7;
	v9 =	vshll.u32 v9, v4  }
0x21b: {  	v14 =	vshll.u32 v14, v4;
	v26 =	vbroadcast v9, $0x0;
	v25 =	vor.u32 v6, v12  }
0x21c: {  	v19 =	vmul.f32 v10, v8;
	v10 =	vshrl.u32 v16, $0x7;
	v16 =	vshrl.u32 v18, $0x7  }
0x21d: {  	v11 =	vshll.u32 v11, v4;
	v16 =	vshll.u32 v16, v4;
	v9 =	vsub.f32 v17, v7  }
0x21e: {  	v26 =	vor.u32 v6, v26;
	v18 =	vpop (erf);
	v23 =	vbroadcast v11, $0x0;
	v12 =	vbroadcast v16, $0x0;
	v16 =	vld [tilespmem:s22+$0xFFFFFFF0]  }
0x21f: {  	v58 =	vld [tilespmem:s22+$0xFFFFFFC0];
	s31 =	simm.s32 $0x480;
	v10 =	vshll.u32 v10, v4;
	v20 =	vpop (erf);
	v18 =	vmul.f32 v18, v8;
	v31 =	vmul.f32 $1.442695020e+00, v9  }
0x220: {  	s28 =	simm.s32 $0x580;
	v21 =	vpop (erf);
	v10 =	vbroadcast v10, $0x0;
	v20 =	vmul.f32 v20, v8;
	[tilespmem:v13+s10+$0x0] =	vst.idx.msk $0xffff, v19;
	v13 =	vmov s31;
	v17 =	vld [tilespmem:s22+$0x0]  }
0x221: {  	v19 =	vmov s28;
	v11 =	vpop (erf);
	v21 =	vmul.f32 v21, v8;
	(erf) = vpow2.f32 v31  }
0x222: {  	s29 =	simm.s32 $0x600;
	v23 =	vor.u32 v6, v23;
	v27 =	vmul.f32 v11, v8;
	v11 =	vbroadcast v14, $0x0;
	v14 =	vpop (erf)  }
0x223: {  	v32 =	vld [tilespmem:s22+$0x20];
	[tilespmem:v15+s10+$0x0] =	vst.idx.msk $0xffff, v18;
	v15 =	vmov s29;
	v29 =	vor.u32 v6, v10;
	v28 =	vpop (erf);
	v16 =	vsub.f32 v16, v7  }
0x224: {  	v14 =	vmul.f32 v14, v8;
	v10 =	vmul.f32 v28, v8;
	v28 =	vsub.f32 v58, v7  }
0x225: {  	v31 =	vshrl.u32 v59, $0x7;
	v17 =	vsub.f32 v17, v7;
	v16 =	vmul.f32 $1.442695020e+00, v16  }
0x226: {  	s30 =	simm.s32 $0x680;
	(erf) = vpow2.f32 v22;
	v31 =	vshll.u32 v31, v4;
	v60 =	vmul.f32 $1.442695020e+00, v28  }
0x227: {  	v18 =	vmov s30;
	(erf) = vpow2.f32 v24;
	v31 =	vbroadcast v31, $0x0  }
0x228: {  	v9 =	vpop (erf);
	v22 =	vsub.f32 v32, v7;
	v17 =	vmul.f32 $1.442695020e+00, v17;
	(erf) = vpow2.f32 v16  }
0x229: {  	v15 =	vshrl.u32 v15, $0x7;
	v9 =	vmul.f32 v9, v8;
	(erf) = vpow2.f32 v60  }
0x22a: {  	v22 =	vmul.f32 $1.442695020e+00, v22;
	v62 =	vor.u32 v6, v31;
	(erf) = vpow2.f32 v17;
	v63 =	vpop (erf)  }
0x22b: {  	s0 =	simm.s32 $0x500;
	s31 =	simm.s32 $0x700;
	[tilespmem:v23+s10+$0x0] =	vst.idx.msk $0xffff, v21;
	v21 =	vshrl.u32 v13, $0x7;
	(erf) = vpow2.f32 v30;
	v13 =	vmul.f32 v63, v8  }
0x22c: {  	[tilespmem:v29+s10+$0x0] =	vst.idx.msk $0xffff, v20;
	v20 =	vmov s31;
	v16 =	vmov s0;
	(erf) = vpow2.f32 v22  }
0x22d: {  	[tilespmem:v26+s10+$0x0] =	vst.idx.msk $0xffff, v14;
	v21 =	vshll.u32 v21, v4;
	v23 =	vshrl.u32 v20, $0x7;
	v14 =	vshrl.u32 v16, $0x7  }
0x22e: {  	[tilespmem:v25+s10+$0x0] =	vst.idx.msk $0xffff, v27;
	v16 =	vshrl.u32 v19, $0x7;
	v17 =	vshrl.u32 v61, $0x7;
	v20 =	vshll.u32 v14, v4  }
0x22f: {  	v19 =	vshll.u32 v17, v4;
	v17 =	vshll.u32 v15, v4;
	v22 =	vshrl.u32 v18, $0x7;
	[tilespmem:v62+s10+$0x0] =	vst.idx.msk $0xffff, v13;
	v13 =	vpop (erf)  }
0x230: {  	s24 =	simm.s32 $0x8;
	s22 =	sadd.s32 $0x400, s22;
	v15 =	vshll.u32 v23, v4;
	v18 =	vshll.u32 v16, v4;
	v16 =	vshll.u32 v22, v4;
	v14 =	vpop (erf)  }
.LBB2_21:
0x231: {  	v22 =	vld [tilespmem:s22+$0x30];
	s24 =	sadd.s32 $0x8, s24;
	v19 =	vbroadcast v19, $0x0;
	v21 =	vbroadcast v21, $0x0;
	v23 =	vpop (erf);
	v24 =	vor.u32 v6, v12  }
0x232: {  	v20 =	vbroadcast v20, $0x0;
	v18 =	vbroadcast v18, $0x0;
	v27 =	vor.u32 v6, v11;
	v25 =	vld [tilespmem:s22+$0xFFFFFFD0];
	p0 =	slt.u32 s24, $0x78;
	v26 =	vpop (erf)  }
0x233: {  	v17 =	vbroadcast v17, $0x0;
	v12 =	vbroadcast v16, $0x0;
	v28 =	vld [tilespmem:s22+$0xFFFFFFE0];
	v19 =	vor.u32 v6, v19;
	v16 =	vpop (erf)  }
0x234: {  	v11 =	vbroadcast v15, $0x0;
	v26 =	vmul.f32 v26, v8;
	v21 =	vor.u32 v6, v21;
	v29 =	vld [tilespmem:s22+$0xFFFFFFF0];
	v15 =	vpop (erf)  }
0x235: {  	v13 =	vmul.f32 v13, v8;
	v14 =	vmul.f32 v14, v8;
	v20 =	vor.u32 v6, v20;
	v30 =	vld [tilespmem:s22+$0x0];
	v31 =	vpop (erf)  }
0x236: {  	v23 =	vmul.f32 v23, v8;
	v16 =	vmul.f32 v16, v8;
	v32 =	vld [tilespmem:s22+$0x10];
	v22 =	vsub.f32 v22, v7  }
0x237: {  	v15 =	vmul.f32 v15, v8;
	v31 =	vmul.f32 v31, v8;
	v25 =	vsub.f32 v25, v7;
	v33 =	vld [tilespmem:s22+$0x20]  }
0x238: {  	v18 =	vor.u32 v6, v18;
	v34 =	vld [tilespmem:s22+$0xFFFFFFC0];
	v28 =	vsub.f32 v28, v7;
	v22 =	vmul.f32 $1.442695020e+00, v22;
	[tilespmem:v19+s10+$0x0] =	vst.idx.msk $0xffff, v26  }
0x239: {  	v19 =	vmul.f32 $1.442695020e+00, v25;
	v25 =	vsub.f32 v29, v7;
	[tilespmem:v21+s10+$0x0] =	vst.idx.msk $0xffff, v13;
	v13 =	vor.u32 v6, v17  }
0x23a: {  	v17 =	vmul.f32 $1.442695020e+00, v28;
	v21 =	vsub.f32 v30, v7;
	(erf) = vpow2.f32 v22;
	[tilespmem:v20+s10+$0x0] =	vst.idx.msk $0xffff, v14  }
0x23b: {  	s23 =	sadd.s32 $0x400, s23;
	v14 =	vmul.f32 $1.442695020e+00, v25;
	v20 =	vsub.f32 v32, v7;
	(erf) = vpow2.f32 v19;
	[tilespmem:v24+s10+$0x0] =	vst.idx.msk $0xffff, v10;
	v10 =	vmovc v15  }
0x23c: {  	s25 =	sadd.s32 $0xFFFFFC80, s23;
	s26 =	sadd.s32 $0xFFFFFD00, s23;
	s28 =	sadd.s32 $0xFFFFFD80, s23;
	v15 =	vmul.f32 $1.442695020e+00, v21;
	v19 =	vsub.f32 v33, v7;
	v21 =	vmov s23;
	[tilespmem:v27+s10+$0x0] =	vst.idx.msk $0xffff, v9;
	v9 =	vmovc v31  }
0x23d: {  	s29 =	sadd.s32 $0xFFFFFE00, s23;
	s30 =	sadd.s32 $0xFFFFFE80, s23;
	s31 =	sadd.s32 $0xFFFFFF00, s23;
	v22 =	vsub.f32 v34, v7;
	v20 =	vmul.f32 $1.442695020e+00, v20;
	v21 =	vshrl.u32 v21, $0x7;
	[tilespmem:v18+s10+$0x0] =	vst.idx.msk $0xffff, v23  }
0x23e: {  	s0 =	sadd.s32 $0xFFFFFF80, s23;
	v18 =	vmul.f32 $1.442695020e+00, v19;
	v19 =	vshll.u32 v21, v4;
	(erf) = vpow2.f32 v17;
	[tilespmem:v13+s10+$0x0] =	vst.idx.msk $0xffff, v16  }
0x23f: {  	v16 =	vmov s25;
	v13 =	vmul.f32 $1.442695020e+00, v22;
	v17 =	vbroadcast v19, $0x0  }
0x240: {  	v21 =	vmov s28;
	v19 =	vmov s26;
	(erf) = vpow2.f32 v14  }
0x241: {  	v14 =	vmov s29;
	v17 =	vor.u32 v6, v17;
	(erf) = vpow2.f32 v13  }
0x242: {  	v23 =	vmov s31;
	v22 =	vmov s30;
	(erf) = vpow2.f32 v15  }
0x243: {  	v15 =	vshrl.u32 v16, $0x7;
	v16 =	vmov s0;
	(erf) = vpow2.f32 v20;
	v13 =	vpop (erf)  }
.Ltmp9:
0x244: {  	v20 =	vshrl.u32 v19, $0x7;
	v24 =	vmul.f32 v13, v8;
	v13 =	vpop (erf);
	(erf) = vpow2.f32 v18;
	(pc) =	sbr.rel @p0 .LBB2_21-.Ltmp9, $4  }
0x245: {  	v22 =	vshrl.u32 v22, $0x7;
	v25 =	vshrl.u32 v14, $0x7;
	v18 =	vshrl.u32 v21, $0x7  }
0x246: {  	v19 =	vshll.u32 v15, v4;
	v15 =	vshrl.u32 v23, $0x7;
	v23 =	vshrl.u32 v16, $0x7;
	[tilespmem:v17+s10+$0x0] =	vst.idx.msk $0xffff, v24  }
0x247: {  	v21 =	vshll.u32 v20, v4;
	v20 =	vshll.u32 v18, v4;
	v18 =	vshll.u32 v25, v4;
	v14 =	vpop (erf)  }
0x248: {  	s22 =	sadd.s32 $0x400, s22;
	v16 =	vshll.u32 v15, v4;
	v15 =	vshll.u32 v23, v4;
	v17 =	vshll.u32 v22, v4  }
0x249: {  	v7 =	vbroadcast v19, $0x0  }
0x24a: {  	v60 =	vbroadcast v21, $0x0  }
0x24b: {  	v20 =	vbroadcast v20, $0x0;
	v7 =	vor.u32 v6, v7  }
0x24c: {  	v61 =	vpop (erf);
	v19 =	vor.u32 v6, v60  }
0x24d: {  	v22 =	vpop (erf);
	v20 =	vor.u32 v6, v20  }
0x24e: {  	v12 =	vor.u32 v6, v12;
	v18 =	vbroadcast v18, $0x0;
	v22 =	vmul.f32 v22, v8  }
0x24f: {  	v11 =	vor.u32 v6, v11;
	v17 =	vbroadcast v17, $0x0;
	v13 =	vmul.f32 v13, v8  }
0x250: {  	v16 =	vbroadcast v16, $0x0;
	v14 =	vmul.f32 v14, v8;
	[tilespmem:v7+s10+$0x0] =	vst.idx.msk $0xffff, v22;
	v7 =	vor.u32 v6, v18  }
0x251: {  	v15 =	vbroadcast v15, $0x0;
	[tilespmem:v19+s10+$0x0] =	vst.idx.msk $0xffff, v13;
	v13 =	vor.u32 v6, v17  }
0x252: {  	[tilespmem:v20+s10+$0x0] =	vst.idx.msk $0xffff, v14;
	v14 =	vor.u32 v6, v16  }
0x253: {  	v63 =	vmul.f32 v61, v8;
	v62 =	vpop (erf);
	[tilespmem:v12+s10+$0x0] =	vst.idx.msk $0xffff, v10;
	v10 =	vor.u32 v6, v15  }
0x254: {  	v12 =	vpop (erf);
	v15 =	vmul.f32 v62, v8;
	[tilespmem:v11+s10+$0x0] =	vst.idx.msk $0xffff, v9  }
0x255: {  	v9 =	vpop (erf);
	v11 =	vmul.f32 v12, v8;
	[tilespmem:v7+s10+$0x0] =	vst.idx.msk $0xffff, v63  }
0x256: {  	s0 =	sadd.s32 s4, s21;
	v7 =	vmul.f32 v9, v8;
	[tilespmem:v13+s10+$0x0] =	vst.idx.msk $0xffff, v15  }
0x257: {  	s0 =	sshll.u32 s0, $0xB;
	[tilespmem:v14+s10+$0x0] =	vst.idx.msk $0xffff, v11  }
0x258: {  	s0 =	sadd.s32 s1, s0;
	[tilespmem:v10+s10+$0x0] =	vst.idx.msk $0xffff, v7  }
0x259: {  	[hbm4b:s0+s3] =	stream.linear.scatter [tilespmem:s10], [sflag:$0x1], $0x4000, $0x38;
	[tilespmem:$0x18000] =	vst v63  }
0x25a: {  	_ =	swait.ge [sflag:s13], $0x4000  }
0x25b: {  	[sflag:s13] =	ssyncset.done $0x0  }
0x25c: {  	[sflag:s13] =	ssyncadd.s32 $0xFFFFC000  }
0x25d: {  	v9 =	vld [tilespmem:s19+$0xFFFFFF90]  }
0x25e: {  	v10 =	vld [tilespmem:s19+$0xFFFFFFA0]  }
0x25f: {  	v11 =	vld [tilespmem:s19+$0xFFFFFFB0]  }
0x260: {  	v7 =	vld [tilespmem:s19+$0xFFFFFFC0]  }
0x261: {  	v12 =	vimm.f32 $-Inf;
	v8 =	vld [tilespmem:s19+$0xFFFFFFD0]  }
0x262: {  	v12 =	vmax.f32 v12, v9;
	v9 =	vld [tilespmem:s19+$0xFFFFFFE0]  }
0x263: {  	v12 =	vmax.f32 v12, v10;
	v10 =	vld [tilespmem:s19+$0xFFFFFFF0]  }
0x264: {  	s20 =	sadd.s32 $0x3, s20;
	s21 =	simm.s32 $0x0;
	s22 =	sadd.s32 $0x400, s19;
	v12 =	vmax.f32 v12, v11;
	v11 =	vld [tilespmem:s19+$0x0]  }
.LBB2_23:
0x265: {  	v13 =	vld [tilespmem:s22+$0xFFFFFF90];
	s21 =	sadd.s32 $0x8, s21;
	v7 =	vmax.f32 v12, v7  }
0x266: {  	v12 =	vld [tilespmem:s22+$0xFFFFFFA0];
	p0 =	slt.u32 s21, $0x78;
	v7 =	vmax.f32 v7, v8  }
0x267: {  	v14 =	vld [tilespmem:s22+$0xFFFFFFB0];
	v8 =	vmax.f32 v7, v9  }
.Ltmp10:
0x268: {  	v7 =	vld [tilespmem:s22+$0xFFFFFFC0];
	v9 =	vmax.f32 v8, v10;
	(pc) =	sbr.rel @p0 .LBB2_23-.Ltmp10, $4  }
0x269: {  	v8 =	vld [tilespmem:s22+$0xFFFFFFD0];
	v9 =	vmax.f32 v9, v11  }
0x26a: {  	v10 =	vmax.f32 v9, v13;
	v9 =	vld [tilespmem:s22+$0xFFFFFFE0]  }
0x26b: {  	v11 =	vmax.f32 v10, v12;
	v10 =	vld [tilespmem:s22+$0xFFFFFFF0]  }
0x26c: {  	v12 =	vmax.f32 v11, v14;
	v11 =	vld [tilespmem:s22+$0x0];
	s22 =	sadd.s32 $0x400, s22  }
0x26d: {  	v7 =	vmax.f32 v12, v7  }
0x26e: {  	v7 =	vmax.f32 v7, v8  }
0x26f: {  	v7 =	vmax.f32 v7, v9  }
0x270: {  	v7 =	vmax.f32 v7, v10  }
0x271: {  	v7 =	vmax.f32 v7, v11  }
0x272: {  	v8 =	vperm.xlane v7, v0;
	_ =	sdelay $0x1  }
0x273: {  	v7 =	vmax.f32 v7, v8  }
0x274: {  	v8 =	vperm.xlane v7, v1;
	_ =	sdelay $0x1  }
0x275: {  	v7 =	vmax.f32 v7, v8  }
0x276: {  	v8 =	vperm.xlane v7, v2  }
0x277: {  	v9 =	vld [tilespmem:s19+$0xFFFFFF90]  }
0x278: {  	v7 =	vmax.f32 v7, v8  }
0x279: {  	v10 =	vld [tilespmem:s19+$0xFFFFFFA0];
	v8 =	vperm.xlane v7, v3;
	_ =	sdelay $0x1  }
0x27a: {  	v7 =	vmax.f32 v7, v8;
	v8 =	vld [tilespmem:s19+$0xFFFFFFB0]  }
0x27b: {  	v9 =	vsub.f32 v9, v7  }
0x27c: {  	v11 =	vld [tilespmem:s19+$0xFFFFFFC0]  }
0x27d: {  	v10 =	vsub.f32 v10, v7;
	v9 =	vmul.f32 $1.442695020e+00, v9;
	_ =	sdelay $0x1  }
0x27e: {  	v12 =	vld [tilespmem:s19+$0xFFFFFFD0];
	v10 =	vmul.f32 $1.442695020e+00, v10;
	v8 =	vsub.f32 v8, v7;
	(erf) = vpow2.f32 v9;
	_ =	sdelay $0x1  }
0x27f: {  	v11 =	vsub.f32 v11, v7;
	v9 =	vld [tilespmem:s19+$0xFFFFFFE0];
	(erf) = vpow2.f32 v10;
	v8 =	vmul.f32 $1.442695020e+00, v8  }
0x280: {  	v13 =	vld [tilespmem:s19+$0xFFFFFFF0]  }
0x281: {  	v11 =	vmul.f32 $1.442695020e+00, v11;
	(erf) = vpow2.f32 v8  }
0x282: {  	v10 =	vsub.f32 v12, v7  }
0x283: {  	(erf) = vpow2.f32 v11;
	v11 =	vld [tilespmem:s19+$0x0]  }
0x284: {  	s21 =	sadd.s32 $0x400, s19;
	v8 =	vsub.f32 v9, v7;
	v9 =	vmul.f32 $1.442695020e+00, v10  }
0x285: {  	v12 =	vld [tilespmem:s21+$0xFFFFFF90];
	v10 =	vsub.f32 v13, v7  }
0x286: {  	v14 =	vld [tilespmem:s21+$0xFFFFFFA0];
	v8 =	vmul.f32 $1.442695020e+00, v8;
	(erf) = vpow2.f32 v9;
	v9 =	vimm.f32 $0.0e+00;
	v13 =	vpop (erf)  }
0x287: {  	v9 =	vadd.f32 v13, v9  }
0x288: {  	v10 =	vmul.f32 $1.442695020e+00, v10;
	(erf) = vpow2.f32 v8;
	v8 =	vld [tilespmem:s21+$0xFFFFFFB0];
	v13 =	vpop (erf);
	v11 =	vsub.f32 v11, v7  }
0x289: {  	v9 =	vadd.f32 v13, v9  }
0x28a: {  	v12 =	vsub.f32 v12, v7;
	(erf) = vpow2.f32 v10;
	v10 =	vld [tilespmem:s21+$0xFFFFFFC0];
	v11 =	vmul.f32 $1.442695020e+00, v11;
	v13 =	vpop (erf)  }
0x28b: {  	v9 =	vadd.f32 v13, v9;
	v13 =	vsub.f32 v14, v7  }
0x28c: {  	v15 =	vld [tilespmem:s21+$0xFFFFFFD0];
	v12 =	vmul.f32 $1.442695020e+00, v12;
	v14 =	vpop (erf);
	(erf) = vpow2.f32 v11  }
0x28d: {  	v8 =	vsub.f32 v8, v7;
	v11 =	vmul.f32 $1.442695020e+00, v13  }
0x28e: {  	v16 =	vld [tilespmem:s21+$0xFFFFFFE0];
	(erf) = vpow2.f32 v12;
	v9 =	vadd.f32 v14, v9  }
0x28f: {  	v13 =	vsub.f32 v10, v7;
	v10 =	vpop (erf);
	v14 =	vmul.f32 $1.442695020e+00, v8  }
0x290: {  	v8 =	vld [tilespmem:s21+$0xFFFFFFF0];
	v17 =	vadd.f32 v10, v9;
	(erf) = vpow2.f32 v11  }
0x291: {  	v10 =	vsub.f32 v15, v7;
	v11 =	vpop (erf)  }
0x292: {  	v12 =	vmul.f32 $1.442695020e+00, v13;
	v9 =	vld [tilespmem:s21+$0x0];
	(erf) = vpow2.f32 v14;
	v13 =	vadd.f32 v11, v17  }
0x293: {  	s22 =	simm.s32 $0x8;
	s23 =	sadd.s32 $0x400, s21;
	v11 =	vsub.f32 v16, v7;
	v14 =	vpop (erf)  }
.LBB2_25:
0x294: {  	v15 =	vld [tilespmem:s23+$0xFFFFFF90];
	v10 =	vmul.f32 $1.442695020e+00, v10;
	(erf) = vpow2.f32 v12;
	v16 =	vadd.f32 v14, v13  }
0x295: {  	s22 =	sadd.s32 $0x8, s22;
	v8 =	vsub.f32 v8, v7;
	v13 =	vpop (erf)  }
0x296: {  	p0 =	slt.u32 s22, $0x78;
	v11 =	vmul.f32 $1.442695020e+00, v11;
	v14 =	vld [tilespmem:s23+$0xFFFFFFA0];
	(erf) = vpow2.f32 v10;
	v10 =	vadd.f32 v13, v16  }
0x297: {  	v9 =	vsub.f32 v9, v7;
	v12 =	vpop (erf)  }
0x298: {  	v8 =	vmul.f32 $1.442695020e+00, v8;
	v13 =	vld [tilespmem:s23+$0xFFFFFFB0];
	v10 =	vadd.f32 v12, v10;
	(erf) = vpow2.f32 v11  }
0x299: {  	v11 =	vsub.f32 v15, v7;
	v12 =	vpop (erf)  }
0x29a: {  	v9 =	vmul.f32 $1.442695020e+00, v9;
	v15 =	vld [tilespmem:s23+$0xFFFFFFC0];
	v10 =	vadd.f32 v12, v10;
	(erf) = vpow2.f32 v8  }
0x29b: {  	v8 =	vsub.f32 v14, v7;
	v12 =	vpop (erf)  }
0x29c: {  	v11 =	vmul.f32 $1.442695020e+00, v11;
	v14 =	vld [tilespmem:s23+$0xFFFFFFD0];
	v10 =	vadd.f32 v12, v10;
	(erf) = vpow2.f32 v9  }
0x29d: {  	v9 =	vsub.f32 v13, v7;
	v12 =	vpop (erf)  }
0x29e: {  	v13 =	vmul.f32 $1.442695020e+00, v8;
	v16 =	vld [tilespmem:s23+$0xFFFFFFE0];
	(erf) = vpow2.f32 v11;
	v10 =	vadd.f32 v12, v10  }
.Ltmp11:
0x29f: {  	v11 =	vsub.f32 v15, v7;
	v12 =	vpop (erf);
	(pc) =	sbr.rel @p0 .LBB2_25-.Ltmp11, $4  }
0x2a0: {  	v15 =	vmul.f32 $1.442695020e+00, v9;
	v8 =	vld [tilespmem:s23+$0xFFFFFFF0];
	(erf) = vpow2.f32 v13;
	v13 =	vadd.f32 v12, v10  }
0x2a1: {  	v10 =	vsub.f32 v14, v7;
	v14 =	vpop (erf)  }
0x2a2: {  	v12 =	vmul.f32 $1.442695020e+00, v11;
	v9 =	vld [tilespmem:s23+$0x0];
	(erf) = vpow2.f32 v15;
	v13 =	vadd.f32 v14, v13  }
0x2a3: {  	s23 =	sadd.s32 $0x400, s23;
	v11 =	vsub.f32 v16, v7;
	v14 =	vpop (erf)  }
0x2a4: {  	(erf) = vpow2.f32 v12;
	v12 =	vadd.f32 v14, v13  }
0x2a5: {  	v10 =	vmul.f32 $1.442695020e+00, v10  }
0x2a6: {  	v8 =	vsub.f32 v8, v7;
	v13 =	vpop (erf);
	v11 =	vmul.f32 $1.442695020e+00, v11  }
0x2a7: {  	(erf) = vpow2.f32 v10;
	v10 =	vadd.f32 v13, v12  }
0x2a8: {  	v9 =	vsub.f32 v9, v7;
	v8 =	vmul.f32 $1.442695020e+00, v8;
	v12 =	vpop (erf)  }
0x2a9: {  	(erf) = vpow2.f32 v11;
	v10 =	vadd.f32 v12, v10  }
0x2aa: {  	v11 =	vpop (erf);
	v9 =	vmul.f32 $1.442695020e+00, v9  }
0x2ab: {  	(erf) = vpow2.f32 v8;
	v10 =	vadd.f32 v11, v10  }
0x2ac: {  	v8 =	vpop (erf)  }
0x2ad: {  	(erf) = vpow2.f32 v9;
	v8 =	vadd.f32 v8, v10  }
0x2ae: {  	v9 =	vpop (erf)  }
0x2af: {  	v8 =	vadd.f32 v9, v8  }
0x2b0: {  	v9 =	vpop (erf)  }
0x2b1: {  	v8 =	vadd.f32 v9, v8  }
0x2b2: {  	v9 =	vpop (erf)  }
0x2b3: {  	v8 =	vadd.f32 v9, v8  }
0x2b4: {  	v9 =	vpop (erf)  }
0x2b5: {  	v8 =	vadd.f32 v9, v8  }
0x2b6: {  	v9 =	vpop (erf)  }
0x2b7: {  	v8 =	vadd.f32 v9, v8;
	_ =	sdelay $0x1  }
0x2b8: {  	v9 =	vperm.xlane v8, v0;
	_ =	sdelay $0x1  }
0x2b9: {  	v8 =	vadd.f32 v9, v8;
	_ =	sdelay $0x1  }
0x2ba: {  	v14 =	vld [tilespmem:s19+$0xFFFFFFD0];
	v9 =	vperm.xlane v8, v1  }
0x2bb: {  	v22 =	vld [tilespmem:s21+$0xFFFFFFA0]  }
0x2bc: {  	v24 =	vld [tilespmem:s21+$0xFFFFFFB0];
	v8 =	vadd.f32 v9, v8  }
0x2bd: {  	v30 =	vld [tilespmem:s21+$0xFFFFFFE0]  }
0x2be: {  	v11 =	vld [tilespmem:s19+$0xFFFFFFA0];
	v9 =	vperm.xlane v8, v2  }
0x2bf: {  	v10 =	vld [tilespmem:s19+$0x0]  }
0x2c0: {  	v8 =	vadd.f32 v9, v8;
	v9 =	vld [tilespmem:s19+$0xFFFFFFB0]  }
0x2c1: {  	s23 =	simm.s32 $0x180;
	v12 =	vld [tilespmem:s19+$0xFFFFFFC0];
	v22 =	vsub.f32 v22, v7  }
0x2c2: {  	v16 =	vld [tilespmem:s19+$0xFFFFFF90];
	s24 =	simm.s32 $0x400;
	v17 =	vmov s23;
	v24 =	vsub.f32 v24, v7;
	v13 =	vperm.xlane v8, v3  }
0x2c3: {  	v61 =	vmov s24;
	v30 =	vsub.f32 v30, v7;
	v22 =	vmul.f32 $1.442695020e+00, v22  }
0x2c4: {  	v15 =	vld [tilespmem:s19+$0xFFFFFFE0];
	v24 =	vmul.f32 $1.442695020e+00, v24;
	v10 =	vsub.f32 v10, v7;
	v8 =	vadd.f32 v13, v8  }
0x2c5: {  	v30 =	vmul.f32 $1.442695020e+00, v30;
	v11 =	vsub.f32 v11, v7;
	v9 =	vsub.f32 v9, v7  }
0x2c6: {  	s22 =	simm.s32 $0x100;
	v13 =	vld [tilespmem:s19+$0xFFFFFFF0];
	(erf) = vrcp.f32 v8;
	v8 =	vmul.f32 $1.442695020e+00, v10;
	v10 =	vsub.f32 v12, v7  }
0x2c7: {  	v12 =	vsub.f32 v14, v7;
	v14 =	vsub.f32 v16, v7;
	v16 =	vmov s22;
	s22 =	simm.s32 $0x280  }
0x2c8: {  	v11 =	vmul.f32 $1.442695020e+00, v11;
	v9 =	vmul.f32 $1.442695020e+00, v9;
	v18 =	vmov s22  }
0x2c9: {  	s31 =	simm.s32 $0x80;
	(erf) = vpow2.f32 v8;
	v8 =	vmul.f32 $1.442695020e+00, v10;
	v10 =	vsub.f32 v15, v7  }
0x2ca: {  	s0 =	simm.s32 $0x380;
	v12 =	vmul.f32 $1.442695020e+00, v12;
	v15 =	vmov s31;
	(erf) = vpow2.f32 v11  }
0x2cb: {  	v11 =	vsub.f32 v13, v7;
	v13 =	vmov s0;
	v15 =	vshrl.u32 v15, $0x7  }
0x2cc: {  	v10 =	vmul.f32 $1.442695020e+00, v10;
	v13 =	vshrl.u32 v13, $0x7;
	(erf) = vpow2.f32 v9  }
0x2cd: {  	v9 =	vmul.f32 $1.442695020e+00, v14;
	v15 =	vshll.u32 v15, v4;
	v11 =	vmul.f32 $1.442695020e+00, v11  }
0x2ce: {  	s30 =	simm.s32 $0x0;
	v13 =	vshll.u32 v13, v4;
	(erf) = vpow2.f32 v8;
	v15 =	vbroadcast v15, $0x0  }
0x2cf: {  	s19 =	simm.s32 $0x200;
	v14 =	vmov s30;
	v13 =	vbroadcast v13, $0x0;
	(erf) = vpow2.f32 v9  }
0x2d0: {  	s23 =	simm.s32 $0x300;
	v9 =	vmov s19;
	(erf) = vpow2.f32 v12;
	v12 =	vshrl.u32 v14, $0x7  }
0x2d1: {  	v14 =	vmov s23;
	v9 =	vshrl.u32 v9, $0x7;
	v8 =	vpop (erf);
	(erf) = vpow2.f32 v10  }
0x2d2: {  	s19 =	simm.s32 $0x780;
	v12 =	vshll.u32 v12, v4;
	v10 =	vpop (erf);
	(erf) = vpow2.f32 v11;
	v11 =	vshrl.u32 v17, $0x7;
	v17 =	vld [tilespmem:s21+$0x0]  }
0x2d3: {  	v15 =	vor.u32 v6, v15;
	v59 =	vmov s19;
	v12 =	vbroadcast v12, $0x0  }
0x2d4: {  	v13 =	vor.u32 v6, v13;
	v14 =	vshrl.u32 v14, $0x7;
	v9 =	vshll.u32 v9, v4  }
0x2d5: {  	v14 =	vshll.u32 v14, v4;
	v26 =	vbroadcast v9, $0x0;
	v25 =	vor.u32 v6, v12  }
0x2d6: {  	v19 =	vmul.f32 v10, v8;
	v10 =	vshrl.u32 v16, $0x7;
	v16 =	vshrl.u32 v18, $0x7  }
0x2d7: {  	v11 =	vshll.u32 v11, v4;
	v16 =	vshll.u32 v16, v4;
	v9 =	vsub.f32 v17, v7  }
0x2d8: {  	v26 =	vor.u32 v6, v26;
	v18 =	vpop (erf);
	v23 =	vbroadcast v11, $0x0;
	v12 =	vbroadcast v16, $0x0;
	v16 =	vld [tilespmem:s21+$0xFFFFFFC0]  }
0x2d9: {  	v58 =	vld [tilespmem:s21+$0xFFFFFF90];
	s25 =	simm.s32 $0x480;
	v10 =	vshll.u32 v10, v4;
	v20 =	vpop (erf);
	v18 =	vmul.f32 v18, v8;
	v31 =	vmul.f32 $1.442695020e+00, v9  }
0x2da: {  	s28 =	simm.s32 $0x580;
	v21 =	vpop (erf);
	v10 =	vbroadcast v10, $0x0;
	v20 =	vmul.f32 v20, v8;
	[tilespmem:v13+s11+$0x0] =	vst.idx.msk $0xffff, v19;
	v13 =	vmov s25;
	v17 =	vld [tilespmem:s21+$0xFFFFFFD0]  }
0x2db: {  	v19 =	vmov s28;
	v11 =	vpop (erf);
	v21 =	vmul.f32 v21, v8;
	(erf) = vpow2.f32 v31  }
0x2dc: {  	s29 =	simm.s32 $0x600;
	v23 =	vor.u32 v6, v23;
	v27 =	vmul.f32 v11, v8;
	v11 =	vbroadcast v14, $0x0;
	v14 =	vpop (erf)  }
0x2dd: {  	v32 =	vld [tilespmem:s21+$0xFFFFFFF0];
	[tilespmem:v15+s11+$0x0] =	vst.idx.msk $0xffff, v18;
	v15 =	vmov s29;
	v29 =	vor.u32 v6, v10;
	v28 =	vpop (erf);
	v16 =	vsub.f32 v16, v7  }
0x2de: {  	v14 =	vmul.f32 v14, v8;
	v10 =	vmul.f32 v28, v8;
	v28 =	vsub.f32 v58, v7  }
0x2df: {  	v31 =	vshrl.u32 v59, $0x7;
	v17 =	vsub.f32 v17, v7;
	v16 =	vmul.f32 $1.442695020e+00, v16  }
0x2e0: {  	s30 =	simm.s32 $0x680;
	(erf) = vpow2.f32 v22;
	v31 =	vshll.u32 v31, v4;
	v60 =	vmul.f32 $1.442695020e+00, v28  }
0x2e1: {  	v18 =	vmov s30;
	(erf) = vpow2.f32 v24;
	v31 =	vbroadcast v31, $0x0  }
0x2e2: {  	v9 =	vpop (erf);
	v22 =	vsub.f32 v32, v7;
	v17 =	vmul.f32 $1.442695020e+00, v17;
	(erf) = vpow2.f32 v16  }
0x2e3: {  	v15 =	vshrl.u32 v15, $0x7;
	v9 =	vmul.f32 v9, v8;
	(erf) = vpow2.f32 v60  }
0x2e4: {  	v22 =	vmul.f32 $1.442695020e+00, v22;
	v62 =	vor.u32 v6, v31;
	(erf) = vpow2.f32 v17;
	v63 =	vpop (erf)  }
0x2e5: {  	s26 =	simm.s32 $0x500;
	s31 =	simm.s32 $0x700;
	[tilespmem:v23+s11+$0x0] =	vst.idx.msk $0xffff, v21;
	v21 =	vshrl.u32 v13, $0x7;
	(erf) = vpow2.f32 v30;
	v13 =	vmul.f32 v63, v8  }
0x2e6: {  	[tilespmem:v29+s11+$0x0] =	vst.idx.msk $0xffff, v20;
	v20 =	vmov s31;
	v16 =	vmov s26;
	(erf) = vpow2.f32 v22  }
0x2e7: {  	[tilespmem:v26+s11+$0x0] =	vst.idx.msk $0xffff, v14;
	v21 =	vshll.u32 v21, v4;
	v23 =	vshrl.u32 v20, $0x7;
	v14 =	vshrl.u32 v16, $0x7  }
0x2e8: {  	[tilespmem:v25+s11+$0x0] =	vst.idx.msk $0xffff, v27;
	v16 =	vshrl.u32 v19, $0x7;
	v17 =	vshrl.u32 v61, $0x7;
	v20 =	vshll.u32 v14, v4  }
0x2e9: {  	v19 =	vshll.u32 v17, v4;
	v17 =	vshll.u32 v15, v4;
	v22 =	vshrl.u32 v18, $0x7;
	[tilespmem:v62+s11+$0x0] =	vst.idx.msk $0xffff, v13;
	v13 =	vpop (erf)  }
0x2ea: {  	s22 =	simm.s32 $0x8;
	s21 =	sadd.s32 $0x400, s21;
	v15 =	vshll.u32 v23, v4;
	v18 =	vshll.u32 v16, v4;
	v16 =	vshll.u32 v22, v4;
	v14 =	vpop (erf)  }
.LBB2_27:
0x2eb: {  	v22 =	vld [tilespmem:s21+$0x0];
	s22 =	sadd.s32 $0x8, s22;
	v19 =	vbroadcast v19, $0x0;
	v21 =	vbroadcast v21, $0x0;
	v23 =	vpop (erf);
	v24 =	vor.u32 v6, v12  }
0x2ec: {  	v20 =	vbroadcast v20, $0x0;
	v18 =	vbroadcast v18, $0x0;
	v27 =	vor.u32 v6, v11;
	v25 =	vld [tilespmem:s21+$0xFFFFFFA0];
	p0 =	slt.u32 s22, $0x78;
	v26 =	vpop (erf)  }
0x2ed: {  	v17 =	vbroadcast v17, $0x0;
	v12 =	vbroadcast v16, $0x0;
	v28 =	vld [tilespmem:s21+$0xFFFFFFB0];
	v19 =	vor.u32 v6, v19;
	v16 =	vpop (erf)  }
0x2ee: {  	v11 =	vbroadcast v15, $0x0;
	v26 =	vmul.f32 v26, v8;
	v21 =	vor.u32 v6, v21;
	v29 =	vld [tilespmem:s21+$0xFFFFFFC0];
	v15 =	vpop (erf)  }
0x2ef: {  	v13 =	vmul.f32 v13, v8;
	v14 =	vmul.f32 v14, v8;
	v20 =	vor.u32 v6, v20;
	v30 =	vld [tilespmem:s21+$0xFFFFFFD0];
	v31 =	vpop (erf)  }
0x2f0: {  	v23 =	vmul.f32 v23, v8;
	v16 =	vmul.f32 v16, v8;
	v32 =	vld [tilespmem:s21+$0xFFFFFFE0];
	v22 =	vsub.f32 v22, v7  }
0x2f1: {  	v15 =	vmul.f32 v15, v8;
	v31 =	vmul.f32 v31, v8;
	v25 =	vsub.f32 v25, v7;
	v33 =	vld [tilespmem:s21+$0xFFFFFFF0]  }
0x2f2: {  	v18 =	vor.u32 v6, v18;
	v34 =	vld [tilespmem:s21+$0xFFFFFF90];
	v28 =	vsub.f32 v28, v7;
	v22 =	vmul.f32 $1.442695020e+00, v22;
	[tilespmem:v19+s11+$0x0] =	vst.idx.msk $0xffff, v26  }
0x2f3: {  	v19 =	vmul.f32 $1.442695020e+00, v25;
	v25 =	vsub.f32 v29, v7;
	[tilespmem:v21+s11+$0x0] =	vst.idx.msk $0xffff, v13;
	v13 =	vor.u32 v6, v17  }
0x2f4: {  	v17 =	vmul.f32 $1.442695020e+00, v28;
	v21 =	vsub.f32 v30, v7;
	(erf) = vpow2.f32 v22;
	[tilespmem:v20+s11+$0x0] =	vst.idx.msk $0xffff, v14  }
0x2f5: {  	s19 =	sadd.s32 $0x400, s19;
	v14 =	vmul.f32 $1.442695020e+00, v25;
	v20 =	vsub.f32 v32, v7;
	(erf) = vpow2.f32 v19;
	[tilespmem:v24+s11+$0x0] =	vst.idx.msk $0xffff, v10;
	v10 =	vmovc v15  }
0x2f6: {  	s0 =	sadd.s32 $0xFFFFFC80, s19;
	s23 =	sadd.s32 $0xFFFFFD00, s19;
	s24 =	sadd.s32 $0xFFFFFD80, s19;
	v15 =	vmul.f32 $1.442695020e+00, v21;
	v19 =	vsub.f32 v33, v7;
	v21 =	vmov s19;
	[tilespmem:v27+s11+$0x0] =	vst.idx.msk $0xffff, v9;
	v9 =	vmovc v31  }
0x2f7: {  	s25 =	sadd.s32 $0xFFFFFE00, s19;
	s26 =	sadd.s32 $0xFFFFFE80, s19;
	s28 =	sadd.s32 $0xFFFFFF00, s19;
	v22 =	vsub.f32 v34, v7;
	v20 =	vmul.f32 $1.442695020e+00, v20;
	v21 =	vshrl.u32 v21, $0x7;
	[tilespmem:v18+s11+$0x0] =	vst.idx.msk $0xffff, v23  }
0x2f8: {  	s29 =	sadd.s32 $0xFFFFFF80, s19;
	v18 =	vmul.f32 $1.442695020e+00, v19;
	v19 =	vshll.u32 v21, v4;
	(erf) = vpow2.f32 v17;
	[tilespmem:v13+s11+$0x0] =	vst.idx.msk $0xffff, v16  }
0x2f9: {  	v16 =	vmov s0;
	v13 =	vmul.f32 $1.442695020e+00, v22;
	v17 =	vbroadcast v19, $0x0  }
0x2fa: {  	v21 =	vmov s24;
	v19 =	vmov s23;
	(erf) = vpow2.f32 v14  }
0x2fb: {  	v14 =	vmov s25;
	v17 =	vor.u32 v6, v17;
	(erf) = vpow2.f32 v13  }
0x2fc: {  	v23 =	vmov s28;
	v22 =	vmov s26;
	(erf) = vpow2.f32 v15  }
0x2fd: {  	v15 =	vshrl.u32 v16, $0x7;
	v16 =	vmov s29;
	(erf) = vpow2.f32 v20;
	v13 =	vpop (erf)  }
.Ltmp12:
0x2fe: {  	v20 =	vshrl.u32 v19, $0x7;
	v24 =	vmul.f32 v13, v8;
	v13 =	vpop (erf);
	(erf) = vpow2.f32 v18;
	(pc) =	sbr.rel @p0 .LBB2_27-.Ltmp12, $4  }
0x2ff: {  	v22 =	vshrl.u32 v22, $0x7;
	v25 =	vshrl.u32 v14, $0x7;
	v18 =	vshrl.u32 v21, $0x7  }
0x300: {  	v19 =	vshll.u32 v15, v4;
	v15 =	vshrl.u32 v23, $0x7;
	v23 =	vshrl.u32 v16, $0x7;
	[tilespmem:v17+s11+$0x0] =	vst.idx.msk $0xffff, v24  }
0x301: {  	v21 =	vshll.u32 v20, v4;
	v20 =	vshll.u32 v18, v4;
	v18 =	vshll.u32 v25, v4;
	v14 =	vpop (erf)  }
0x302: {  	s21 =	sadd.s32 $0x400, s21;
	v16 =	vshll.u32 v15, v4;
	v15 =	vshll.u32 v23, v4;
	v17 =	vshll.u32 v22, v4  }
0x303: {  	v7 =	vbroadcast v19, $0x0  }
0x304: {  	v12 =	vor.u32 v6, v12  }
0x305: {  	v53 =	vbroadcast v21, $0x0;
	v7 =	vor.u32 v6, v7  }
0x306: {  	v20 =	vbroadcast v20, $0x0;
	v54 =	vpop (erf);
	v11 =	vor.u32 v6, v11  }
0x307: {  	v17 =	vbroadcast v17, $0x0;
	v22 =	vpop (erf);
	v19 =	vor.u32 v6, v53  }
0x308: {  	v18 =	vbroadcast v18, $0x0;
	v20 =	vor.u32 v6, v20;
	v22 =	vmul.f32 v22, v8  }
0x309: {  	v16 =	vbroadcast v16, $0x0;
	v55 =	vor.u32 v6, v17;
	[tilespmem:v12+s11+$0x0] =	vst.idx.msk $0xffff, v10  }
0x30a: {  	v13 =	vmul.f32 v13, v8;
	v15 =	vbroadcast v15, $0x0;
	[tilespmem:v7+s11+$0x0] =	vst.idx.msk $0xffff, v22;
	v7 =	vor.u32 v6, v18  }
0x30b: {  	v14 =	vmul.f32 v14, v8;
	v56 =	vor.u32 v6, v16;
	v57 =	vpop (erf);
	[tilespmem:v11+s11+$0x0] =	vst.idx.msk $0xffff, v9  }
0x30c: {  	s15 =	sadd.s32 $0x1, s15;
	v59 =	vor.u32 v6, v15;
	v61 =	vmul.f32 v57, v8;
	[tilespmem:v19+s11+$0x0] =	vst.idx.msk $0xffff, v13  }
0x30d: {  	v58 =	vmul.f32 v54, v8;
	p0 =	sne.s32 s15, $0xF;
	v60 =	vpop (erf);
	[tilespmem:v20+s11+$0x0] =	vst.idx.msk $0xffff, v14  }
.Ltmp13:
0x30e: {  	v62 =	vpop (erf);
	v63 =	vmul.f32 v60, v8;
	[tilespmem:v55+s11+$0x0] =	vst.idx.msk $0xffff, v61;
	(pc) =	sbr.rel @p0 .LBB2_16-.Ltmp13, $4  }
0x30f: {  	s0 =	sadd.s32 s4, s20;
	[tilespmem:v7+s11+$0x0] =	vst.idx.msk $0xffff, v58;
	v7 =	vmul.f32 v62, v8  }
0x310: {  	s16 =	sadd.s32 $0x1000, s16;
	s0 =	sshll.u32 s0, $0xB;
	[tilespmem:v56+s11+$0x0] =	vst.idx.msk $0xffff, v63  }
0x311: {  	s17 =	sadd.s32 $0x1, s17;
	s18 =	sadd.s32 $0x2, s18;
	s0 =	sadd.s32 s1, s0;
	[tilespmem:v59+s11+$0x0] =	vst.idx.msk $0xffff, v7  }
0x312: {  	[hbm4b:s0+s3] =	stream.linear.scatter [tilespmem:s11], [sflag:$0x2], $0x4000, $0x38;
	[tilespmem:$0x18000] =	vst v63  }
0x313: {  	s14 =	sadd.s32 $0x1, s14  }
0x314: {  	_ =	swait.ge [sflag:s12], $0x4000;
	p0 =	sne.s32 s14, s8  }
.Ltmp14:
0x315: {  	[sflag:s12] =	ssyncset.done $0x0;
	(pc) =	sbr.rel @p0 .LBB2_1-.Ltmp14, $4  }
0x316: {  	[sflag:s12] =	ssyncadd.s32 $0xFFFFC000  }
0x317: {  	_ =	swait.ge [sflag:s13], $0x4000  }
0x318: {  	[sflag:s13] =	ssyncset.done $0x0  }
0x319: {  	[sflag:s13] =	ssyncadd.s32 $0xFFFFC000  }
0x31a: {  	_ =	sfence.sel $0x180000  }
0x31b: {  	[bflag:$0x0] =	sbarrier.arrive $0xFFFF  }
0x31c: {  	_ =	strace $0x90000047  }
0x31d: {  	[bflag:$0x2] =	sbarrier.arrive $0xFFFF  }
0x31e: {  	p0 =	sne.s32 s2, $0x0;
	s0 =	rddreg [dreg:$0x2]  }
0x31f: {  	s0 =	sadd.s32 @!p0 $0x100000, s0  }
0x320: {  	[sflag:s0] =	ssyncadd.tile.s32 @!p0 $0x1;
	_ =	shalt  }
.Lfunc_end2:
_tile_overlayer_lowered:
.L_overlay_start_2:
0x321: {  	(tag) =	ssettag $0x2  }
0x322: {  	s0 =	rddreg [dreg:$0x0];
	s2 =	stileid.u32  }
0x323: {  	s1 =	rddreg [dreg:$0x1];
	p0 =	sne.s32 s2, $0x0  }
0x324: {  	s3 =	rddreg [dreg:$0x2];
	[bflag:$0x3] =	sbarrier.arrive $0xFFFF;
	s2 =	simm.s32 @!p0 $0x1C04  }
0x325: {  	[timem:s3], [sflag:s2] =	dma.local @!p0 [hbm:s0], s1  }
0x326: {  	s0 =	simm.s32 @!p0 $0x4  }
0x327: {  	_ =	swait.ge @!p0 [sflag:s0], s1  }
0x328: {  	s1 =	ssub.s32 @!p0 $0x0, s1;
	[sflag:s0] =	ssyncset.done @!p0 $0x0  }
0x329: {  	[sflag:s0] =	ssyncadd.s32 @!p0 s1  }
0x32a: {  	[bflag:$0x3] =	sbarrier.arrive $0xFFFF  }
0x32b: {  	_ =	shalt  }

</sc_bundles>
